<compile_context>
chip_gen: v7x
topology: tpu7x:2x2x1
jax: 0.10.2.dev20260603
libtpu: 0.0.44.dev20260713+nightly
codegen_flags: <defaults>
</compile_context>

<pallas_src>
import functools

import jax
import jax.numpy as jnp
import numpy as np
from jax import lax
from jax.experimental import pallas as pl
from jax.experimental.pallas import tpu as pltpu
from jax.experimental.pallas import tpu_sc as plsc

K_POS = 8
M_NEG = 256
N_TOTAL = 4096
H = 256
N_ANCH = N_TOTAL // K_POS

_NC = 2
_NS = 16
_NW = _NC * _NS
_B_TOT = N_ANCH * M_NEG
_B_PER_W = _B_TOT // _NW
_CH = 128
_NCH = _B_PER_W // _CH
_WA = N_ANCH // _NW
_NCHUNK = N_TOTAL // _CH


def _tf2x32(k1, k2, c1, c2):
    x0 = (c1 + k1).astype(np.uint32)
    x1 = (c2 + k2).astype(np.uint32)
    ks = [np.uint32(k1), np.uint32(k2),
          np.uint32(np.uint32(k1) ^ np.uint32(k2) ^ np.uint32(0x1BD11BDA))]
    rot = ([13, 15, 26, 6], [17, 29, 16, 24])

    def rounds(x0, x1, rs):
        for r in rs:
            x0 = (x0 + x1).astype(np.uint32)
            x1 = ((x1 << np.uint32(r)) | (x1 >> np.uint32(32 - r))).astype(
                np.uint32)
            x1 = x0 ^ x1
        return x0, x1

    for i, (rs, ka, kb) in enumerate([
            (rot[0], 1, 2), (rot[1], 2, 0), (rot[0], 0, 1),
            (rot[1], 1, 2), (rot[0], 2, 0)]):
        x0, x1 = rounds(x0, x1, rs)
        x0 = (x0 + ks[ka]).astype(np.uint32)
        x1 = (x1 + ks[kb] + np.uint32(i + 1)).astype(np.uint32)
    return x0, x1


def _tf_split(keypair, n):
    b1, b2 = _tf2x32(keypair[0], keypair[1],
                     np.zeros(n, np.uint32), np.arange(n, dtype=np.uint32))
    return np.stack([b1, b2], axis=1)


def _tf_permutation(keypair, size):
    x = np.arange(size)
    kk = keypair
    for _ in range(2):
        ks = _tf_split(kk, 2)
        kk, sub = ks[0], ks[1]
        b1, b2 = _tf2x32(sub[0], sub[1], np.zeros(size, np.uint32),
                         np.arange(size, dtype=np.uint32))
        x = x[np.argsort(b1 ^ b2, kind="stable")]
    return x


@functools.lru_cache(maxsize=None)
def _neg_flat_idx() -> np.ndarray:
    keys = _tf_split(np.array([0, 1], np.uint32), N_ANCH)
    perm = np.stack([
        _tf_permutation(keys[i], K_POS * (N_ANCH - 1))[:M_NEG]
        for i in range(N_ANCH)
    ])
    rows = np.arange(N_ANCH)[:, None]
    cols = perm + (perm >= K_POS * rows)
    flat = ((cols // _CH) * (N_ANCH * _CH) + rows * _CH + cols % _CH)
    flat = flat.astype(np.int32).reshape(N_ANCH, 2, _CH)
    out = np.empty((_B_TOT // _CH, _CH), np.int32)
    for w in range(_NW):
        anchors = np.arange(_WA * w, _WA * (w + 1))
        out[w * 2 * _WA: w * 2 * _WA + _WA] = flat[anchors, 0]
        out[w * 2 * _WA + _WA: (w + 1) * 2 * _WA] = flat[anchors, 1]
    return out.reshape(-1)


def _scores_body(e2_ref, w_ref, b_ref, e_ref, s_ref, pos_ref):
    e2 = e2_ref[:]
    hist_x = e2[:, : (K_POS - 1) * H]
    hist_y = e2[:, (K_POS - 1) * H:]
    predicts = lax.dot_general(
        hist_x, w_ref[:], (((1,), (1,)), ((), ())),
        preferred_element_type=jnp.float32,
    ) + b_ref[:]
    pos_ref[:] = jnp.sum(predicts * hist_y, axis=1, keepdims=True)
    for c in range(_NCHUNK):
        s_ref[c] = lax.dot_general(
            predicts, e_ref[pl.ds(c * _CH, _CH), :], (((1,), (1,)), ((), ())),
            preferred_element_type=jnp.float32,
        )


def _loss_body(pos_ref, neg_ref, out_ref):
    pos = pos_ref[:]
    neg_lo = neg_ref[:N_ANCH]
    neg_hi = neg_ref[N_ANCH:]
    m = jnp.maximum(jnp.max(neg_lo, axis=1, keepdims=True),
                    jnp.max(neg_hi, axis=1, keepdims=True))
    m = jnp.maximum(m, pos)
    ssum = (jnp.sum(jnp.exp(neg_lo - m), axis=1, keepdims=True)
            + jnp.sum(jnp.exp(neg_hi - m), axis=1, keepdims=True)
            + jnp.exp(pos - m))
    lse = m + jnp.log(ssum)
    out_ref[:] = jnp.sum(lse - pos, axis=0, keepdims=True) / N_ANCH


def _sc_gather_body(sflat_hbm, idx_hbm, out_hbm, idx_v, vals_v, sem):
    wid = lax.axis_index("s") * _NC + lax.axis_index("c")
    pltpu.sync_copy(idx_hbm.at[pl.ds(wid * _B_PER_W, _B_PER_W)], idx_v)
    pltpu.async_copy(sflat_hbm.at[idx_v], vals_v, sem).wait()
    half = _B_PER_W // 2
    pltpu.sync_copy(vals_v.at[pl.ds(0, half)],
                    out_hbm.at[pl.ds(wid * half, half)])
    pltpu.sync_copy(vals_v.at[pl.ds(half, half)],
                    out_hbm.at[pl.ds(N_ANCH * _CH + wid * half, half)])


def kernel(embeddings, W, b, target):
    del target
    n, h = N_ANCH, H
    e2 = embeddings.reshape(n, K_POS * h)

    s_mat, pos = pl.pallas_call(
        _scores_body,
        out_shape=(
            jax.ShapeDtypeStruct((_NCHUNK, n, _CH), jnp.float32),
            jax.ShapeDtypeStruct((n, 1), jnp.float32),
        ),
    )(e2, W, b.reshape(1, h), embeddings)

    idx = jnp.asarray(_neg_flat_idx())

    sc_gather = pl.kernel(
        _sc_gather_body,
        out_type=jax.ShapeDtypeStruct((_B_TOT,), jnp.float32),
        mesh=plsc.VectorSubcoreMesh(core_axis_name="c", subcore_axis_name="s"),
        scratch_types=[
            pltpu.VMEM((_B_PER_W,), jnp.int32),
            pltpu.VMEM((_B_PER_W,), jnp.float32),
            pltpu.SemaphoreType.DMA,
        ],
    )
    neg = sc_gather(s_mat.reshape(n * N_TOTAL), idx).reshape(2 * N_ANCH, _CH)

    out = pl.pallas_call(
        _loss_body,
        out_shape=jax.ShapeDtypeStruct((1, 1), jnp.float32),
    )(pos, neg)
    return out[0, 0]

# --- scband reference (transcript-rebuilt; emitter-appended) ---
"""Pipeline reference for scband-cpcloss-v2-81286551044366 (READ-ONLY COPY).

The authoritative reference and input builder live on the scoring server;
editing this copy changes nothing except your own understanding.
"""

import jax, jax.numpy as jnp
import numpy as np

K_POS = 8
M_NEG = 256
N_TOTAL = 4096
H = 256

def setup_inputs(seed: int = 0):
    key = jax.random.key(seed)
    k1, k2 = jax.random.split(key)
    embeddings = jax.random.normal(k1, (N_TOTAL, H), dtype=jnp.float32)
    W = jax.random.normal(k2, (H, (K_POS - 1) * H), dtype=jnp.float32) * 0.02
    b = jnp.zeros((H,), dtype=jnp.float32)
    target = jnp.arange(N_TOTAL, dtype=jnp.int32)
    return {"embeddings": embeddings, "W": W, "b": b, "target": target}

def reference(embeddings, W, b, target):
    N = embeddings.shape[0]
    n = N // K_POS
    h = embeddings.shape[1]
    idx = np.arange(N)
    # history masks -> concrete gather indices
    hist_x_ix = np.nonzero((idx + 1) % K_POS != 0)[0]
    hist_y_ix = np.nonzero((idx + 1) % K_POS == 0)[0]
    hist_x = embeddings[hist_x_ix].reshape(n, -1)
    hist_y = embeddings[hist_y_ix]
    # linear predictor (torch nn.Linear semantics: x @ W.T + b)
    predicts = hist_x @ W.T + b
    positive_pred_logit = (predicts * hist_y).sum(axis=-1)
    # pairwise target comparison, row-major nonzero like torch
    t = jnp.broadcast_to(target[None, :], (N, N))
    diff = (t - t.T) != 0
    _, cols = jnp.nonzero(diff, size=N * (N - 1))
    neg_samples = cols.reshape(n, K_POS, -1)[:, 0, :]
    # per-anchor random permutation of the first k*(n-1) candidates
    keys = jax.random.split(jax.random.key(1), n)
    perm = jax.vmap(lambda kk: jax.random.permutation(kk, K_POS * (n - 1))[:M_NEG])(keys)
    neg_idx = jnp.take_along_axis(neg_samples, perm, axis=1)
    neg_embed = embeddings[neg_idx.reshape(-1)].reshape(n, M_NEG, h)
    neg_logit = (predicts[:, None, :] * neg_embed).sum(-1)
    logits = jnp.concatenate([positive_pred_logit[:, None], neg_logit], axis=-1)
    loss = jax.nn.log_softmax(logits, axis=-1)[:, 0]
    return -1.0 * loss.mean()

if __name__ == "__main__":
    import jax
    _d = setup_inputs()
    print(jax.jit(kernel)(*tuple(_d.values())))

</pallas_src>

<mosaic_0001>
#map = affine_map<(d0, d1) -> (0)>
module attributes {stable_mosaic.version = 14 : i64} {
  func.func @_sc_gather_body(%arg0: i32, %arg1: i32, %arg2: memref<2097152xf32, #tpu.memory_space<hbm>>, %arg3: memref<131072xi32, #tpu.memory_space<hbm>>, %arg4: memref<131072xf32, #tpu.memory_space<hbm>>, %arg5: memref<4096xi32, #tpu.memory_space<vmem>>, %arg6: memref<4096xf32, #tpu.memory_space<vmem>>, %arg7: memref<!tpu.dma_semaphore, #tpu.memory_space<semaphore_mem>>) attributes {dimension_semantics = [#tpu.dimension_semantics<core_parallel>, #tpu.dimension_semantics<subcore_parallel>], iteration_bounds = array<i64: 2, 16>, scalar_prefetch = 0 : i64, scratch_operands = 3 : i64, tpu.core_type = #tpu.core_type<sc_vector_subcore>, window_params = [{transform_indices = #map}, {transform_indices = #map}, {transform_indices = #map}]} {
    %mul3A = arith.constant 2 : i32
    %mul3A_0 = arith.muli %arg1, %mul3A : i32
    %add3A = arith.addi %mul3A_0, %arg0 : i32
    %mul3A_1 = arith.constant 4096 : i32
    %mul3A_2 = arith.muli %add3A, %mul3A_1 : i32
    "tpu.region"() ({
      %run_scoped3A = tpu.sem_alloc : memref<!tpu.dma_semaphore, #tpu.memory_space<semaphore_mem>>
      %dma_start3A_11 = tpu.memref_slice %arg3[%mul3A_2] : memref<131072xi32, #tpu.memory_space<hbm>> -> memref<4096xi32, #tpu.memory_space<hbm>>
      %dma_start3A_12 = tpu.memref_slice %arg3[%mul3A_2] : memref<131072xi32, #tpu.memory_space<hbm>> -> memref<4096xi32, #tpu.memory_space<hbm>>
      tpu.enqueue_dma source(%dma_start3A_12 : memref<4096xi32, #tpu.memory_space<hbm>>) target(%arg5 : memref<4096xi32, #tpu.memory_space<vmem>>) target_semaphore(%run_scoped3A : memref<!tpu.dma_semaphore, #tpu.memory_space<semaphore_mem>>)
      %dma_wait3A_13 = tpu.memref_slice %arg3[%mul3A_2] : memref<131072xi32, #tpu.memory_space<hbm>> -> memref<4096xi32, #tpu.memory_space<hbm>>
      %dma_wait3A_14 = tpu.memref_slice %arg3[%mul3A_2] : memref<131072xi32, #tpu.memory_space<hbm>> -> memref<4096xi32, #tpu.memory_space<hbm>>
      tpu.wait_dma2 semaphore(%run_scoped3A : memref<!tpu.dma_semaphore, #tpu.memory_space<semaphore_mem>>) src(%dma_wait3A_14 : memref<4096xi32, #tpu.memory_space<hbm>>) dst(%arg5 : memref<4096xi32, #tpu.memory_space<vmem>>)
      tpu.yield
    }) : () -> ()
    %dma_start3A = arith.constant 0 : i32
    %dma_start3A_3 = tpu.memref_slice %arg2[%dma_start3A] : memref<2097152xf32, #tpu.memory_space<hbm>> -> memref<2097152xf32, #tpu.memory_space<hbm>>
    tpu.enqueue_indirect_dma source(%dma_start3A_3 : memref<2097152xf32, #tpu.memory_space<hbm>>) target(%arg6 : memref<4096xf32, #tpu.memory_space<vmem>>) offsets(%arg5 : memref<4096xi32, #tpu.memory_space<vmem>>) semaphore(%arg7 : memref<!tpu.dma_semaphore, #tpu.memory_space<semaphore_mem>>)
    %dma_wait3A = arith.constant 0 : i32
    %dma_wait3A_4 = tpu.memref_slice %arg2[%dma_wait3A] : memref<2097152xf32, #tpu.memory_space<hbm>> -> memref<2097152xf32, #tpu.memory_space<hbm>>
    tpu.wait_indirect_dma semaphore(%arg7 : memref<!tpu.dma_semaphore, #tpu.memory_space<semaphore_mem>>) src(%dma_wait3A_4 : memref<2097152xf32, #tpu.memory_space<hbm>>) dst(%arg6 : memref<4096xf32, #tpu.memory_space<vmem>>)
    %mul3A_5 = arith.constant 2048 : i32
    %mul3A_6 = arith.muli %add3A, %mul3A_5 : i32
    "tpu.region"() ({
      %run_scoped3A = tpu.sem_alloc : memref<!tpu.dma_semaphore, #tpu.memory_space<semaphore_mem>>
      %dma_start3A_11 = arith.constant 0 : i32
      %dma_start3A_12 = tpu.memref_slice %arg6[%dma_start3A_11] : memref<4096xf32, #tpu.memory_space<vmem>> -> memref<2048xf32, #tpu.memory_space<vmem>>
      %dma_start3A_13 = tpu.memref_slice %arg4[%mul3A_6] : memref<131072xf32, #tpu.memory_space<hbm>> -> memref<2048xf32, #tpu.memory_space<hbm>>
      %dma_start3A_14 = tpu.memref_slice %arg4[%mul3A_6] : memref<131072xf32, #tpu.memory_space<hbm>> -> memref<2048xf32, #tpu.memory_space<hbm>>
      %dma_start3A_15 = arith.constant 0 : i32
      %dma_start3A_16 = tpu.memref_slice %arg6[%dma_start3A_15] : memref<4096xf32, #tpu.memory_space<vmem>> -> memref<2048xf32, #tpu.memory_space<vmem>>
      tpu.enqueue_dma source(%dma_start3A_16 : memref<2048xf32, #tpu.memory_space<vmem>>) target(%dma_start3A_14 : memref<2048xf32, #tpu.memory_space<hbm>>) target_semaphore(%run_scoped3A : memref<!tpu.dma_semaphore, #tpu.memory_space<semaphore_mem>>)
      %dma_wait3A_17 = arith.constant 0 : i32
      %dma_wait3A_18 = tpu.memref_slice %arg6[%dma_wait3A_17] : memref<4096xf32, #tpu.memory_space<vmem>> -> memref<2048xf32, #tpu.memory_space<vmem>>
      %dma_wait3A_19 = tpu.memref_slice %arg4[%mul3A_6] : memref<131072xf32, #tpu.memory_space<hbm>> -> memref<2048xf32, #tpu.memory_space<hbm>>
      %dma_wait3A_20 = tpu.memref_slice %arg4[%mul3A_6] : memref<131072xf32, #tpu.memory_space<hbm>> -> memref<2048xf32, #tpu.memory_space<hbm>>
      %dma_wait3A_21 = arith.constant 0 : i32
      %dma_wait3A_22 = tpu.memref_slice %arg6[%dma_wait3A_21] : memref<4096xf32, #tpu.memory_space<vmem>> -> memref<2048xf32, #tpu.memory_space<vmem>>
      tpu.wait_dma2 semaphore(%run_scoped3A : memref<!tpu.dma_semaphore, #tpu.memory_space<semaphore_mem>>) src(%dma_wait3A_22 : memref<2048xf32, #tpu.memory_space<vmem>>) dst(%dma_wait3A_20 : memref<2048xf32, #tpu.memory_space<hbm>>)
      tpu.yield
    }) : () -> ()
    %mul3A_7 = arith.constant 2048 : i32
    %mul3A_8 = arith.muli %add3A, %mul3A_7 : i32
    %add3A_9 = arith.constant 65536 : i32
    %add3A_10 = arith.addi %add3A_9, %mul3A_8 : i32
    "tpu.region"() ({
      %run_scoped3A = tpu.sem_alloc : memref<!tpu.dma_semaphore, #tpu.memory_space<semaphore_mem>>
      %dma_start3A_11 = arith.constant 2048 : i32
      %dma_start3A_12 = tpu.memref_slice %arg6[%dma_start3A_11] : memref<4096xf32, #tpu.memory_space<vmem>> -> memref<2048xf32, #tpu.memory_space<vmem>>
      %dma_start3A_13 = tpu.memref_slice %arg4[%add3A_10] : memref<131072xf32, #tpu.memory_space<hbm>> -> memref<2048xf32, #tpu.memory_space<hbm>>
      %dma_start3A_14 = tpu.memref_slice %arg4[%add3A_10] : memref<131072xf32, #tpu.memory_space<hbm>> -> memref<2048xf32, #tpu.memory_space<hbm>>
      %dma_start3A_15 = arith.constant 2048 : i32
      %dma_start3A_16 = tpu.memref_slice %arg6[%dma_start3A_15] : memref<4096xf32, #tpu.memory_space<vmem>> -> memref<2048xf32, #tpu.memory_space<vmem>>
      tpu.enqueue_dma source(%dma_start3A_16 : memref<2048xf32, #tpu.memory_space<vmem>>) target(%dma_start3A_14 : memref<2048xf32, #tpu.memory_space<hbm>>) target_semaphore(%run_scoped3A : memref<!tpu.dma_semaphore, #tpu.memory_space<semaphore_mem>>)
      %dma_wait3A_17 = arith.constant 2048 : i32
      %dma_wait3A_18 = tpu.memref_slice %arg6[%dma_wait3A_17] : memref<4096xf32, #tpu.memory_space<vmem>> -> memref<2048xf32, #tpu.memory_space<vmem>>
      %dma_wait3A_19 = tpu.memref_slice %arg4[%add3A_10] : memref<131072xf32, #tpu.memory_space<hbm>> -> memref<2048xf32, #tpu.memory_space<hbm>>
      %dma_wait3A_20 = tpu.memref_slice %arg4[%add3A_10] : memref<131072xf32, #tpu.memory_space<hbm>> -> memref<2048xf32, #tpu.memory_space<hbm>>
      %dma_wait3A_21 = arith.constant 2048 : i32
      %dma_wait3A_22 = tpu.memref_slice %arg6[%dma_wait3A_21] : memref<4096xf32, #tpu.memory_space<vmem>> -> memref<2048xf32, #tpu.memory_space<vmem>>
      tpu.wait_dma2 semaphore(%run_scoped3A : memref<!tpu.dma_semaphore, #tpu.memory_space<semaphore_mem>>) src(%dma_wait3A_22 : memref<2048xf32, #tpu.memory_space<vmem>>) dst(%dma_wait3A_20 : memref<2048xf32, #tpu.memory_space<hbm>>)
      tpu.yield
    }) : () -> ()
    return
  }
}

module attributes {stable_mosaic.version = 14 : i64} {
  func.func @_loss_body(%arg0: memref<512x1xf32, #tpu.memory_space<vmem>>, %arg1: memref<1024x128xf32, #tpu.memory_space<vmem>>, %arg2: memref<1x1xf32, #tpu.memory_space<vmem>>) attributes {dimension_semantics = [], scalar_prefetch = 0 : i64, scratch_operands = 0 : i64, tpu.core_type = #tpu.core_type<tc>} {
    %get3A = arith.constant 0 : index
    %get3A_0 = arith.constant 0 : index
    %get3A_1 = vector.load %arg0[%get3A, %get3A_0] : memref<512x1xf32, #tpu.memory_space<vmem>>, vector<512x1xf32>
    %get3A_2 = arith.constant 0 : index
    %get3A_3 = arith.constant 0 : index
    %get3A_4 = vector.load %arg1[%get3A_2, %get3A_3] : memref<1024x128xf32, #tpu.memory_space<vmem>>, vector<512x128xf32>
    %get3A_5 = arith.constant 512 : index
    %get3A_6 = arith.constant 0 : index
    %get3A_7 = vector.load %arg1[%get3A_5, %get3A_6] : memref<1024x128xf32, #tpu.memory_space<vmem>>, vector<512x128xf32>
    %reduce_max3A = arith.constant dense<0xFF800000> : vector<512xf32>
    %reduce_max3A_8 = vector.multi_reduction <maximumf>, %get3A_4, %reduce_max3A [1] : vector<512x128xf32> to vector<512xf32>
    %broadcast_in_dim3A = vector.shape_cast %reduce_max3A_8 : vector<512xf32> to vector<512x1xf32>
    %reduce_max3A_9 = arith.constant dense<0xFF800000> : vector<512xf32>
    %reduce_max3A_10 = vector.multi_reduction <maximumf>, %get3A_7, %reduce_max3A_9 [1] : vector<512x128xf32> to vector<512xf32>
    %broadcast_in_dim3A_11 = vector.shape_cast %reduce_max3A_10 : vector<512xf32> to vector<512x1xf32>
    %max3A = arith.maximumf %broadcast_in_dim3A, %broadcast_in_dim3A_11 : vector<512x1xf32>
    %max3A_12 = arith.maximumf %max3A, %get3A_1 : vector<512x1xf32>
    %sub3A = vector.broadcast %max3A_12 : vector<512x1xf32> to vector<512x128xf32>
    %sub3A_13 = arith.subf %get3A_4, %sub3A : vector<512x128xf32>
    %exp3A = math.exp %sub3A_13 : vector<512x128xf32>
    %reduce_sum3A = arith.constant dense<0.000000e+00> : vector<512xf32>
    %reduce_sum3A_14 = vector.multi_reduction <add>, %exp3A, %reduce_sum3A [1] : vector<512x128xf32> to vector<512xf32>
    %broadcast_in_dim3A_15 = vector.shape_cast %reduce_sum3A_14 : vector<512xf32> to vector<512x1xf32>
    %sub3A_16 = vector.broadcast %max3A_12 : vector<512x1xf32> to vector<512x128xf32>
    %sub3A_17 = arith.subf %get3A_7, %sub3A_16 : vector<512x128xf32>
    %exp3A_18 = math.exp %sub3A_17 : vector<512x128xf32>
    %reduce_sum3A_19 = arith.constant dense<0.000000e+00> : vector<512xf32>
    %reduce_sum3A_20 = vector.multi_reduction <add>, %exp3A_18, %reduce_sum3A_19 [1] : vector<512x128xf32> to vector<512xf32>
    %broadcast_in_dim3A_21 = vector.shape_cast %reduce_sum3A_20 : vector<512xf32> to vector<512x1xf32>
    %add3A = arith.addf %broadcast_in_dim3A_15, %broadcast_in_dim3A_21 : vector<512x1xf32>
    %sub3A_22 = arith.subf %get3A_1, %max3A_12 : vector<512x1xf32>
    %exp3A_23 = math.exp %sub3A_22 : vector<512x1xf32>
    %add3A_24 = arith.addf %add3A, %exp3A_23 : vector<512x1xf32>
    %log3A = math.log %add3A_24 : vector<512x1xf32>
    %add3A_25 = arith.addf %max3A_12, %log3A : vector<512x1xf32>
    %sub3A_26 = arith.subf %add3A_25, %get3A_1 : vector<512x1xf32>
    %reduce_sum3A_27 = arith.constant dense<0.000000e+00> : vector<1xf32>
    %reduce_sum3A_28 = vector.multi_reduction <add>, %sub3A_26, %reduce_sum3A_27 [0] : vector<512x1xf32> to vector<1xf32>
    %broadcast_in_dim3A_29 = vector.shape_cast %reduce_sum3A_28 : vector<1xf32> to vector<1x1xf32>
    %div3A = arith.constant 5.120000e+02 : f32
    %div3A_30 = vector.broadcast %div3A : f32 to vector<1x1xf32>
    %div3A_31 = arith.divf %broadcast_in_dim3A_29, %div3A_30 : vector<1x1xf32>
    %swap3A = arith.constant 0 : index
    %swap3A_32 = arith.constant 0 : index
    %swap3A_33 = vector.load %arg2[%swap3A, %swap3A_32] : memref<1x1xf32, #tpu.memory_space<vmem>>, vector<1x1xf32>
    tpu.vector_store %arg2[%swap3A, %swap3A_32], %div3A_31 {strides = array<i32>} : memref<1x1xf32, #tpu.memory_space<vmem>>, vector<1x1xf32>,
    return
  }
}

module attributes {stable_mosaic.version = 14 : i64} {
  func.func @_scores_body(%arg0: memref<512x2048xf32, #tpu.memory_space<vmem>>, %arg1: memref<256x1792xf32, #tpu.memory_space<vmem>>, %arg2: memref<1x256xf32, #tpu.memory_space<vmem>>, %arg3: memref<4096x256xf32, #tpu.memory_space<vmem>>, %arg4: memref<32x512x128xf32, #tpu.memory_space<vmem>>, %arg5: memref<512x1xf32, #tpu.memory_space<vmem>>) attributes {dimension_semantics = [], scalar_prefetch = 0 : i64, scratch_operands = 0 : i64, tpu.core_type = #tpu.core_type<tc>} {
    %get3A = arith.constant 0 : index
    %get3A_0 = arith.constant 0 : index
    %get3A_1 = vector.load %arg0[%get3A, %get3A_0] : memref<512x2048xf32, #tpu.memory_space<vmem>>, vector<512x2048xf32>
    %slice3A = vector.extract_strided_slice %get3A_1 {offsets = [0, 0], sizes = [512, 1792], strides = [1, 1]} : vector<512x2048xf32> to vector<512x1792xf32>
    %slice3A_2 = vector.extract_strided_slice %get3A_1 {offsets = [0, 1792], sizes = [512, 256], strides = [1, 1]} : vector<512x2048xf32> to vector<512x256xf32>
    %get3A_3 = arith.constant 0 : index
    %get3A_4 = arith.constant 0 : index
    %get3A_5 = vector.load %arg1[%get3A_3, %get3A_4] : memref<256x1792xf32, #tpu.memory_space<vmem>>, vector<256x1792xf32>
    %dot_general3A = arith.constant dense<0.000000e+00> : vector<512x256xf32>
    %dot_general3A_6 = tpu.matmul %slice3A, %get3A_5, %dot_general3A {dimension_numbers = #tpu.dot_dimension_numbers<[1], [1], [0], [0], [0, 0, 1, 0], [], []>, transpose_lhs_hint = false} : vector<512x1792xf32>, vector<256x1792xf32>, vector<512x256xf32> -> vector<512x256xf32>
    %get3A_7 = arith.constant 0 : index
    %get3A_8 = arith.constant 0 : index
    %get3A_9 = vector.load %arg2[%get3A_7, %get3A_8] : memref<1x256xf32, #tpu.memory_space<vmem>>, vector<1x256xf32>
    %add3A = vector.broadcast %get3A_9 : vector<1x256xf32> to vector<512x256xf32>
    %add3A_10 = arith.addf %dot_general3A_6, %add3A : vector<512x256xf32>
    %mul3A = arith.mulf %add3A_10, %slice3A_2 : vector<512x256xf32>
    %reduce_sum3A = arith.constant dense<0.000000e+00> : vector<512xf32>
    %reduce_sum3A_11 = vector.multi_reduction <add>, %mul3A, %reduce_sum3A [1] : vector<512x256xf32> to vector<512xf32>
    %broadcast_in_dim3A = vector.shape_cast %reduce_sum3A_11 : vector<512xf32> to vector<512x1xf32>
    %swap3A = arith.constant 0 : index
    %swap3A_12 = arith.constant 0 : index
    %swap3A_13 = vector.load %arg5[%swap3A, %swap3A_12] : memref<512x1xf32, #tpu.memory_space<vmem>>, vector<512x1xf32>
    tpu.vector_store %arg5[%swap3A, %swap3A_12], %broadcast_in_dim3A {strides = array<i32>} : memref<512x1xf32, #tpu.memory_space<vmem>>, vector<512x1xf32>,
    %get3A_14 = arith.constant 0 : index
    %get3A_15 = arith.constant 0 : index
    %get3A_16 = vector.load %arg3[%get3A_14, %get3A_15] : memref<4096x256xf32, #tpu.memory_space<vmem>>, vector<128x256xf32>
    %dot_general3A_17 = arith.constant dense<0.000000e+00> : vector<512x128xf32>
    %dot_general3A_18 = tpu.matmul %add3A_10, %get3A_16, %dot_general3A_17 {dimension_numbers = #tpu.dot_dimension_numbers<[1], [1], [0], [0], [0, 0, 1, 0], [], []>, transpose_lhs_hint = false} : vector<512x256xf32>, vector<128x256xf32>, vector<512x128xf32> -> vector<512x128xf32>
    %swap3A_19 = arith.constant 0 : index
    %swap3A_20 = arith.constant 0 : index
    %swap3A_21 = arith.constant 0 : index
    %swap3A_22 = vector.load %arg4[%swap3A_19, %swap3A_20, %swap3A_21] : memref<32x512x128xf32, #tpu.memory_space<vmem>>, vector<1x512x128xf32>
    %swap3A_23 = vector.shape_cast %swap3A_22 : vector<1x512x128xf32> to vector<512x128xf32>
    %swap3A_24 = vector.shape_cast %dot_general3A_18 : vector<512x128xf32> to vector<1x512x128xf32>
    tpu.vector_store %arg4[%swap3A_19, %swap3A_20, %swap3A_21], %swap3A_24 {strides = array<i32>} : memref<32x512x128xf32, #tpu.memory_space<vmem>>, vector<1x512x128xf32>,
    %get3A_25 = arith.constant 128 : index
    %get3A_26 = arith.constant 0 : index
    %get3A_27 = vector.load %arg3[%get3A_25, %get3A_26] : memref<4096x256xf32, #tpu.memory_space<vmem>>, vector<128x256xf32>
    %dot_general3A_28 = arith.constant dense<0.000000e+00> : vector<512x128xf32>
    %dot_general3A_29 = tpu.matmul %add3A_10, %get3A_27, %dot_general3A_28 {dimension_numbers = #tpu.dot_dimension_numbers<[1], [1], [0], [0], [0, 0, 1, 0], [], []>, transpose_lhs_hint = false} : vector<512x256xf32>, vector<128x256xf32>, vector<512x128xf32> -> vector<512x128xf32>
    %swap3A_30 = arith.constant 1 : index
    %swap3A_31 = arith.constant 0 : index
    %swap3A_32 = arith.constant 0 : index
    %swap3A_33 = vector.load %arg4[%swap3A_30, %swap3A_31, %swap3A_32] : memref<32x512x128xf32, #tpu.memory_space<vmem>>, vector<1x512x128xf32>
    %swap3A_34 = vector.shape_cast %swap3A_33 : vector<1x512x128xf32> to vector<512x128xf32>
    %swap3A_35 = vector.shape_cast %dot_general3A_29 : vector<512x128xf32> to vector<1x512x128xf32>
    tpu.vector_store %arg4[%swap3A_30, %swap3A_31, %swap3A_32], %swap3A_35 {strides = array<i32>} : memref<32x512x128xf32, #tpu.memory_space<vmem>>, vector<1x512x128xf32>,
    %get3A_36 = arith.constant 256 : index
    %get3A_37 = arith.constant 0 : index
    %get3A_38 = vector.load %arg3[%get3A_36, %get3A_37] : memref<4096x256xf32, #tpu.memory_space<vmem>>, vector<128x256xf32>
    %dot_general3A_39 = arith.constant dense<0.000000e+00> : vector<512x128xf32>
    %dot_general3A_40 = tpu.matmul %add3A_10, %get3A_38, %dot_general3A_39 {dimension_numbers = #tpu.dot_dimension_numbers<[1], [1], [0], [0], [0, 0, 1, 0], [], []>, transpose_lhs_hint = false} : vector<512x256xf32>, vector<128x256xf32>, vector<512x128xf32> -> vector<512x128xf32>
    %swap3A_41 = arith.constant 2 : index
    %swap3A_42 = arith.constant 0 : index
    %swap3A_43 = arith.constant 0 : index
    %swap3A_44 = vector.load %arg4[%swap3A_41, %swap3A_42, %swap3A_43] : memref<32x512x128xf32, #tpu.memory_space<vmem>>, vector<1x512x128xf32>
    %swap3A_45 = vector.shape_cast %swap3A_44 : vector<1x512x128xf32> to vector<512x128xf32>
    %swap3A_46 = vector.shape_cast %dot_general3A_40 : vector<512x128xf32> to vector<1x512x128xf32>
    tpu.vector_store %arg4[%swap3A_41, %swap3A_42, %swap3A_43], %swap3A_46 {strides = array<i32>} : memref<32x512x128xf32, #tpu.memory_space<vmem>>, vector<1x512x128xf32>,
    %get3A_47 = arith.constant 384 : index
    %get3A_48 = arith.constant 0 : index
    %get3A_49 = vector.load %arg3[%get3A_47, %get3A_48] : memref<4096x256xf32, #tpu.memory_space<vmem>>, vector<128x256xf32>
    %dot_general3A_50 = arith.constant dense<0.000000e+00> : vector<512x128xf32>
    %dot_general3A_51 = tpu.matmul %add3A_10, %get3A_49, %dot_general3A_50 {dimension_numbers = #tpu.dot_dimension_numbers<[1], [1], [0], [0], [0, 0, 1, 0], [], []>, transpose_lhs_hint = false} : vector<512x256xf32>, vector<128x256xf32>, vector<512x128xf32> -> vector<512x128xf32>
    %swap3A_52 = arith.constant 3 : index
    %swap3A_53 = arith.constant 0 : index
    %swap3A_54 = arith.constant 0 : index
    %swap3A_55 = vector.load %arg4[%swap3A_52, %swap3A_53, %swap3A_54] : memref<32x512x128xf32, #tpu.memory_space<vmem>>, vector<1x512x128xf32>
    %swap3A_56 = vector.shape_cast %swap3A_55 : vector<1x512x128xf32> to vector<512x128xf32>
    %swap3A_57 = vector.shape_cast %dot_general3A_51 : vector<512x128xf32> to vector<1x512x128xf32>
    tpu.vector_store %arg4[%swap3A_52, %swap3A_53, %swap3A_54], %swap3A_57 {strides = array<i32>} : memref<32x512x128xf32, #tpu.memory_space<vmem>>, vector<1x512x128xf32>,
    %get3A_58 = arith.constant 512 : index
    %get3A_59 = arith.constant 0 : index
    %get3A_60 = vector.load %arg3[%get3A_58, %get3A_59] : memref<4096x256xf32, #tpu.memory_space<vmem>>, vector<128x256xf32>
    %dot_general3A_61 = arith.constant dense<0.000000e+00> : vector<512x128xf32>
    %dot_general3A_62 = tpu.matmul %add3A_10, %get3A_60, %dot_general3A_61 {dimension_numbers = #tpu.dot_dimension_numbers<[1], [1], [0], [0], [0, 0, 1, 0], [], []>, transpose_lhs_hint = false} : vector<512x256xf32>, vector<128x256xf32>, vector<512x128xf32> -> vector<512x128xf32>
    %swap3A_63 = arith.constant 4 : index
    %swap3A_64 = arith.constant 0 : index
    %swap3A_65 = arith.constant 0 : index
    %swap3A_66 = vector.load %arg4[%swap3A_63, %swap3A_64, %swap3A_65] : memref<32x512x128xf32, #tpu.memory_space<vmem>>, vector<1x512x128xf32>
    %swap3A_67 = vector.shape_cast %swap3A_66 : vector<1x512x128xf32> to vector<512x128xf32>
    %swap3A_68 = vector.shape_cast %dot_general3A_62 : vector<512x128xf32> to vector<1x512x128xf32>
    tpu.vector_store %arg4[%swap3A_63, %swap3A_64, %swap3A_65], %swap3A_68 {strides = array<i32>} : memref<32x512x128xf32, #tpu.memory_space<vmem>>, vector<1x512x128xf32>,
    %get3A_69 = arith.constant 640 : index
    %get3A_70 = arith.constant 0 : index
    %get3A_71 = vector.load %arg3[%get3A_69, %get3A_70] : memref<4096x256xf32, #tpu.memory_space<vmem>>, vector<128x256xf32>
    %dot_general3A_72 = arith.constant dense<0.000000e+00> : vector<512x128xf32>
    %dot_general3A_73 = tpu.matmul %add3A_10, %get3A_71, %dot_general3A_72 {dimension_numbers = #tpu.dot_dimension_numbers<[1], [1], [0], [0], [0, 0, 1, 0], [], []>, transpose_lhs_hint = false} : vector<512x256xf32>, vector<128x256xf32>, vector<512x128xf32> -> vector<512x128xf32>
    %swap3A_74 = arith.constant 5 : index
    %swap3A_75 = arith.constant 0 : index
    %swap3A_76 = arith.constant 0 : index
    %swap3A_77 = vector.load %arg4[%swap3A_74, %swap3A_75, %swap3A_76] : memref<32x512x128xf32, #tpu.memory_space<vmem>>, vector<1x512x128xf32>
    %swap3A_78 = vector.shape_cast %swap3A_77 : vector<1x512x128xf32> to vector<512x128xf32>
    %swap3A_79 = vector.shape_cast %dot_general3A_73 : vector<512x128xf32> to vector<1x512x128xf32>
    tpu.vector_store %arg4[%swap3A_74, %swap3A_75, %swap3A_76], %swap3A_79 {strides = array<i32>} : memref<32x512x128xf32, #tpu.memory_space<vmem>>, vector<1x512x128xf32>,
    %get3A_80 = arith.constant 768 : index
    %get3A_81 = arith.constant 0 : index
    %get3A_82 = vector.load %arg3[%get3A_80, %get3A_81] : memref<4096x256xf32, #tpu.memory_space<vmem>>, vector<128x256xf32>
    %dot_general3A_83 = arith.constant dense<0.000000e+00> : vector<512x128xf32>
    %dot_general3A_84 = tpu.matmul %add3A_10, %get3A_82, %dot_general3A_83 {dimension_numbers = #tpu.dot_dimension_numbers<[1], [1], [0], [0], [0, 0, 1, 0], [], []>, transpose_lhs_hint = false} : vector<512x256xf32>, vector<128x256xf32>, vector<512x128xf32> -> vector<512x128xf32>
    %swap3A_85 = arith.constant 6 : index
    %swap3A_86 = arith.constant 0 : index
    %swap3A_87 = arith.constant 0 : index
    %swap3A_88 = vector.load %arg4[%swap3A_85, %swap3A_86, %swap3A_87] : memref<32x512x128xf32, #tpu.memory_space<vmem>>, vector<1x512x128xf32>
    %swap3A_89 = vector.shape_cast %swap3A_88 : vector<1x512x128xf32> to vector<512x128xf32>
    %swap3A_90 = vector.shape_cast %dot_general3A_84 : vector<512x128xf32> to vector<1x512x128xf32>
    tpu.vector_store %arg4[%swap3A_85, %swap3A_86, %swap3A_87], %swap3A_90 {strides = array<i32>} : memref<32x512x128xf32, #tpu.memory_space<vmem>>, vector<1x512x128xf32>,
    %get3A_91 = arith.constant 896 : index
    %get3A_92 = arith.constant 0 : index
    %get3A_93 = vector.load %arg3[%get3A_91, %get3A_92] : memref<4096x256xf32, #tpu.memory_space<vmem>>, vector<128x256xf32>
    %dot_general3A_94 = arith.constant dense<0.000000e+00> : vector<512x128xf32>
    %dot_general3A_95 = tpu.matmul %add3A_10, %get3A_93, %dot_general3A_94 {dimension_numbers = #tpu.dot_dimension_numbers<[1], [1], [0], [0], [0, 0, 1, 0], [], []>, transpose_lhs_hint = false} : vector<512x256xf32>, vector<128x256xf32>, vector<512x128xf32> -> vector<512x128xf32>
    %swap3A_96 = arith.constant 7 : index
    %swap3A_97 = arith.constant 0 : index
    %swap3A_98 = arith.constant 0 : index
    %swap3A_99 = vector.load %arg4[%swap3A_96, %swap3A_97, %swap3A_98] : memref<32x512x128xf32, #tpu.memory_space<vmem>>, vector<1x512x128xf32>
    %swap3A_100 = vector.shape_cast %swap3A_99 : vector<1x512x128xf32> to vector<512x128xf32>
    %swap3A_101 = vector.shape_cast %dot_general3A_95 : vector<512x128xf32> to vector<1x512x128xf32>
    tpu.vector_store %arg4[%swap3A_96, %swap3A_97, %swap3A_98], %swap3A_101 {strides = array<i32>} : memref<32x512x128xf32, #tpu.memory_space<vmem>>, vector<1x512x128xf32>,
    %get3A_102 = arith.constant 1024 : index
    %get3A_103 = arith.constant 0 : index
    %get3A_104 = vector.load %arg3[%get3A_102, %get3A_103] : memref<4096x256xf32, #tpu.memory_space<vmem>>, vector<128x256xf32>
    %dot_general3A_105 = arith.constant dense<0.000000e+00> : vector<512x128xf32>
    %dot_general3A_106 = tpu.matmul %add3A_10, %get3A_104, %dot_general3A_105 {dimension_numbers = #tpu.dot_dimension_numbers<[1], [1], [0], [0], [0, 0, 1, 0], [], []>, transpose_lhs_hint = false} : vector<512x256xf32>, vector<128x256xf32>, vector<512x128xf32> -> vector<512x128xf32>
    %swap3A_107 = arith.constant 8 : index
    %swap3A_108 = arith.constant 0 : index
    %swap3A_109 = arith.constant 0 : index
    %swap3A_110 = vector.load %arg4[%swap3A_107, %swap3A_108, %swap3A_109] : memref<32x512x128xf32, #tpu.memory_space<vmem>>, vector<1x512x128xf32>
    %swap3A_111 = vector.shape_cast %swap3A_110 : vector<1x512x128xf32> to vector<512x128xf32>
    %swap3A_112 = vector.shape_cast %dot_general3A_106 : vector<512x128xf32> to vector<1x512x128xf32>
    tpu.vector_store %arg4[%swap3A_107, %swap3A_108, %swap3A_109], %swap3A_112 {strides = array<i32>} : memref<32x512x128xf32, #tpu.memory_space<vmem>>, vector<1x512x128xf32>,
    %get3A_113 = arith.constant 1152 : index
    %get3A_114 = arith.constant 0 : index
    %get3A_115 = vector.load %arg3[%get3A_113, %get3A_114] : memref<4096x256xf32, #tpu.memory_space<vmem>>, vector<128x256xf32>
    %dot_general3A_116 = arith.constant dense<0.000000e+00> : vector<512x128xf32>
    %dot_general3A_117 = tpu.matmul %add3A_10, %get3A_115, %dot_general3A_116 {dimension_numbers = #tpu.dot_dimension_numbers<[1], [1], [0], [0], [0, 0, 1, 0], [], []>, transpose_lhs_hint = false} : vector<512x256xf32>, vector<128x256xf32>, vector<512x128xf32> -> vector<512x128xf32>
    %swap3A_118 = arith.constant 9 : index
    %swap3A_119 = arith.constant 0 : index
    %swap3A_120 = arith.constant 0 : index
    %swap3A_121 = vector.load %arg4[%swap3A_118, %swap3A_119, %swap3A_120] : memref<32x512x128xf32, #tpu.memory_space<vmem>>, vector<1x512x128xf32>
    %swap3A_122 = vector.shape_cast %swap3A_121 : vector<1x512x128xf32> to vector<512x128xf32>
    %swap3A_123 = vector.shape_cast %dot_general3A_117 : vector<512x128xf32> to vector<1x512x128xf32>
    tpu.vector_store %arg4[%swap3A_118, %swap3A_119, %swap3A_120], %swap3A_123 {strides = array<i32>} : memref<32x512x128xf32, #tpu.memory_space<vmem>>, vector<1x512x128xf32>,
    %get3A_124 = arith.constant 1280 : index
    %get3A_125 = arith.constant 0 : index
    %get3A_126 = vector.load %arg3[%get3A_124, %get3A_125] : memref<4096x256xf32, #tpu.memory_space<vmem>>, vector<128x256xf32>
    %dot_general3A_127 = arith.constant dense<0.000000e+00> : vector<512x128xf32>
    %dot_general3A_128 = tpu.matmul %add3A_10, %get3A_126, %dot_general3A_127 {dimension_numbers = #tpu.dot_dimension_numbers<[1], [1], [0], [0], [0, 0, 1, 0], [], []>, transpose_lhs_hint = false} : vector<512x256xf32>, vector<128x256xf32>, vector<512x128xf32> -> vector<512x128xf32>
    %swap3A_129 = arith.constant 10 : index
    %swap3A_130 = arith.constant 0 : index
    %swap3A_131 = arith.constant 0 : index
    %swap3A_132 = vector.load %arg4[%swap3A_129, %swap3A_130, %swap3A_131] : memref<32x512x128xf32, #tpu.memory_space<vmem>>, vector<1x512x128xf32>
    %swap3A_133 = vector.shape_cast %swap3A_132 : vector<1x512x128xf32> to vector<512x128xf32>
    %swap3A_134 = vector.shape_cast %dot_general3A_128 : vector<512x128xf32> to vector<1x512x128xf32>
    tpu.vector_store %arg4[%swap3A_129, %swap3A_130, %swap3A_131], %swap3A_134 {strides = array<i32>} : memref<32x512x128xf32, #tpu.memory_space<vmem>>, vector<1x512x128xf32>,
    %get3A_135 = arith.constant 1408 : index
    %get3A_136 = arith.constant 0 : index
    %get3A_137 = vector.load %arg3[%get3A_135, %get3A_136] : memref<4096x256xf32, #tpu.memory_space<vmem>>, vector<128x256xf32>
    %dot_general3A_138 = arith.constant dense<0.000000e+00> : vector<512x128xf32>
    %dot_general3A_139 = tpu.matmul %add3A_10, %get3A_137, %dot_general3A_138 {dimension_numbers = #tpu.dot_dimension_numbers<[1], [1], [0], [0], [0, 0, 1, 0], [], []>, transpose_lhs_hint = false} : vector<512x256xf32>, vector<128x256xf32>, vector<512x128xf32> -> vector<512x128xf32>
    %swap3A_140 = arith.constant 11 : index
    %swap3A_141 = arith.constant 0 : index
    %swap3A_142 = arith.constant 0 : index
    %swap3A_143 = vector.load %arg4[%swap3A_140, %swap3A_141, %swap3A_142] : memref<32x512x128xf32, #tpu.memory_space<vmem>>, vector<1x512x128xf32>
    %swap3A_144 = vector.shape_cast %swap3A_143 : vector<1x512x128xf32> to vector<512x128xf32>
    %swap3A_145 = vector.shape_cast %dot_general3A_139 : vector<512x128xf32> to vector<1x512x128xf32>
    tpu.vector_store %arg4[%swap3A_140, %swap3A_141, %swap3A_142], %swap3A_145 {strides = array<i32>} : memref<32x512x128xf32, #tpu.memory_space<vmem>>, vector<1x512x128xf32>,
    %get3A_146 = arith.constant 1536 : index
    %get3A_147 = arith.constant 0 : index
    %get3A_148 = vector.load %arg3[%get3A_146, %get3A_147] : memref<4096x256xf32, #tpu.memory_space<vmem>>, vector<128x256xf32>
    %dot_general3A_149 = arith.constant dense<0.000000e+00> : vector<512x128xf32>
    %dot_general3A_150 = tpu.matmul %add3A_10, %get3A_148, %dot_general3A_149 {dimension_numbers = #tpu.dot_dimension_numbers<[1], [1], [0], [0], [0, 0, 1, 0], [], []>, transpose_lhs_hint = false} : vector<512x256xf32>, vector<128x256xf32>, vector<512x128xf32> -> vector<512x128xf32>
    %swap3A_151 = arith.constant 12 : index
    %swap3A_152 = arith.constant 0 : index
    %swap3A_153 = arith.constant 0 : index
    %swap3A_154 = vector.load %arg4[%swap3A_151, %swap3A_152, %swap3A_153] : memref<32x512x128xf32, #tpu.memory_space<vmem>>, vector<1x512x128xf32>
    %swap3A_155 = vector.shape_cast %swap3A_154 : vector<1x512x128xf32> to vector<512x128xf32>
    %swap3A_156 = vector.shape_cast %dot_general3A_150 : vector<512x128xf32> to vector<1x512x128xf32>
    tpu.vector_store %arg4[%swap3A_151, %swap3A_152, %swap3A_153], %swap3A_156 {strides = array<i32>} : memref<32x512x128xf32, #tpu.memory_space<vmem>>, vector<1x512x128xf32>,
    %get3A_157 = arith.constant 1664 : index
    %get3A_158 = arith.constant 0 : index
    %get3A_159 = vector.load %arg3[%get3A_157, %get3A_158] : memref<4096x256xf32, #tpu.memory_space<vmem>>, vector<128x256xf32>
    %dot_general3A_160 = arith.constant dense<0.000000e+00> : vector<512x128xf32>
    %dot_general3A_161 = tpu.matmul %add3A_10, %get3A_159, %dot_general3A_160 {dimension_numbers = #tpu.dot_dimension_numbers<[1], [1], [0], [0], [0, 0, 1, 0], [], []>, transpose_lhs_hint = false} : vector<512x256xf32>, vector<128x256xf32>, vector<512x128xf32> -> vector<512x128xf32>
    %swap3A_162 = arith.constant 13 : index
    %swap3A_163 = arith.constant 0 : index
    %swap3A_164 = arith.constant 0 : index
    %swap3A_165 = vector.load %arg4[%swap3A_162, %swap3A_163, %swap3A_164] : memref<32x512x128xf32, #tpu.memory_space<vmem>>, vector<1x512x128xf32>
    %swap3A_166 = vector.shape_cast %swap3A_165 : vector<1x512x128xf32> to vector<512x128xf32>
    %swap3A_167 = vector.shape_cast %dot_general3A_161 : vector<512x128xf32> to vector<1x512x128xf32>
    tpu.vector_store %arg4[%swap3A_162, %swap3A_163, %swap3A_164], %swap3A_167 {strides = array<i32>} : memref<32x512x128xf32, #tpu.memory_space<vmem>>, vector<1x512x128xf32>,
    %get3A_168 = arith.constant 1792 : index
    %get3A_169 = arith.constant 0 : index
    %get3A_170 = vector.load %arg3[%get3A_168, %get3A_169] : memref<4096x256xf32, #tpu.memory_space<vmem>>, vector<128x256xf32>
    %dot_general3A_171 = arith.constant dense<0.000000e+00> : vector<512x128xf32>
    %dot_general3A_172 = tpu.matmul %add3A_10, %get3A_170, %dot_general3A_171 {dimension_numbers = #tpu.dot_dimension_numbers<[1], [1], [0], [0], [0, 0, 1, 0], [], []>, transpose_lhs_hint = false} : vector<512x256xf32>, vector<128x256xf32>, vector<512x128xf32> -> vector<512x128xf32>
    %swap3A_173 = arith.constant 14 : index
    %swap3A_174 = arith.constant 0 : index
    %swap3A_175 = arith.constant 0 : index
    %swap3A_176 = vector.load %arg4[%swap3A_173, %swap3A_174, %swap3A_175] : memref<32x512x128xf32, #tpu.memory_space<vmem>>, vector<1x512x128xf32>
    %swap3A_177 = vector.shape_cast %swap3A_176 : vector<1x512x128xf32> to vector<512x128xf32>
    %swap3A_178 = vector.shape_cast %dot_general3A_172 : vector<512x128xf32> to vector<1x512x128xf32>
    tpu.vector_store %arg4[%swap3A_173, %swap3A_174, %swap3A_175], %swap3A_178 {strides = array<i32>} : memref<32x512x128xf32, #tpu.memory_space<vmem>>, vector<1x512x128xf32>,
    %get3A_179 = arith.constant 1920 : index
    %get3A_180 = arith.constant 0 : index
    %get3A_181 = vector.load %arg3[%get3A_179, %get3A_180] : memref<4096x256xf32, #tpu.memory_space<vmem>>, vector<128x256xf32>
    %dot_general3A_182 = arith.constant dense<0.000000e+00> : vector<512x128xf32>
    %dot_general3A_183 = tpu.matmul %add3A_10, %get3A_181, %dot_general3A_182 {dimension_numbers = #tpu.dot_dimension_numbers<[1], [1], [0], [0], [0, 0, 1, 0], [], []>, transpose_lhs_hint = false} : vector<512x256xf32>, vector<128x256xf32>, vector<512x128xf32> -> vector<512x128xf32>
    %swap3A_184 = arith.constant 15 : index
    %swap3A_185 = arith.constant 0 : index
    %swap3A_186 = arith.constant 0 : index
    %swap3A_187 = vector.load %arg4[%swap3A_184, %swap3A_185, %swap3A_186] : memref<32x512x128xf32, #tpu.memory_space<vmem>>, vector<1x512x128xf32>
    %swap3A_188 = vector.shape_cast %swap3A_187 : vector<1x512x128xf32> to vector<512x128xf32>
    %swap3A_189 = vector.shape_cast %dot_general3A_183 : vector<512x128xf32> to vector<1x512x128xf32>
    tpu.vector_store %arg4[%swap3A_184, %swap3A_185, %swap3A_186], %swap3A_189 {strides = array<i32>} : memref<32x512x128xf32, #tpu.memory_space<vmem>>, vector<1x512x128xf32>,
    %get3A_190 = arith.constant 2048 : index
    %get3A_191 = arith.constant 0 : index
    %get3A_192 = vector.load %arg3[%get3A_190, %get3A_191] : memref<4096x256xf32, #tpu.memory_space<vmem>>, vector<128x256xf32>
    %dot_general3A_193 = arith.constant dense<0.000000e+00> : vector<512x128xf32>
    %dot_general3A_194 = tpu.matmul %add3A_10, %get3A_192, %dot_general3A_193 {dimension_numbers = #tpu.dot_dimension_numbers<[1], [1], [0], [0], [0, 0, 1, 0], [], []>, transpose_lhs_hint = false} : vector<512x256xf32>, vector<128x256xf32>, vector<512x128xf32> -> vector<512x128xf32>
    %swap3A_195 = arith.constant 16 : index
    %swap3A_196 = arith.constant 0 : index
    %swap3A_197 = arith.constant 0 : index
    %swap3A_198 = vector.load %arg4[%swap3A_195, %swap3A_196, %swap3A_197] : memref<32x512x128xf32, #tpu.memory_space<vmem>>, vector<1x512x128xf32>
    %swap3A_199 = vector.shape_cast %swap3A_198 : vector<1x512x128xf32> to vector<512x128xf32>
    %swap3A_200 = vector.shape_cast %dot_general3A_194 : vector<512x128xf32> to vector<1x512x128xf32>
    tpu.vector_store %arg4[%swap3A_195, %swap3A_196, %swap3A_197], %swap3A_200 {strides = array<i32>} : memref<32x512x128xf32, #tpu.memory_space<vmem>>, vector<1x512x128xf32>,
    %get3A_201 = arith.constant 2176 : index
    %get3A_202 = arith.constant 0 : index
    %get3A_203 = vector.load %arg3[%get3A_201, %get3A_202] : memref<4096x256xf32, #tpu.memory_space<vmem>>, vector<128x256xf32>
    %dot_general3A_204 = arith.constant dense<0.000000e+00> : vector<512x128xf32>
    %dot_general3A_205 = tpu.matmul %add3A_10, %get3A_203, %dot_general3A_204 {dimension_numbers = #tpu.dot_dimension_numbers<[1], [1], [0], [0], [0, 0, 1, 0], [], []>, transpose_lhs_hint = false} : vector<512x256xf32>, vector<128x256xf32>, vector<512x128xf32> -> vector<512x128xf32>
    %swap3A_206 = arith.constant 17 : index
    %swap3A_207 = arith.constant 0 : index
    %swap3A_208 = arith.constant 0 : index
    %swap3A_209 = vector.load %arg4[%swap3A_206, %swap3A_207, %swap3A_208] : memref<32x512x128xf32, #tpu.memory_space<vmem>>, vector<1x512x128xf32>
    %swap3A_210 = vector.shape_cast %swap3A_209 : vector<1x512x128xf32> to vector<512x128xf32>
    %swap3A_211 = vector.shape_cast %dot_general3A_205 : vector<512x128xf32> to vector<1x512x128xf32>
    tpu.vector_store %arg4[%swap3A_206, %swap3A_207, %swap3A_208], %swap3A_211 {strides = array<i32>} : memref<32x512x128xf32, #tpu.memory_space<vmem>>, vector<1x512x128xf32>,
    %get3A_212 = arith.constant 2304 : index
    %get3A_213 = arith.constant 0 : index
    %get3A_214 = vector.load %arg3[%get3A_212, %get3A_213] : memref<4096x256xf32, #tpu.memory_space<vmem>>, vector<128x256xf32>
    %dot_general3A_215 = arith.constant dense<0.000000e+00> : vector<512x128xf32>
    %dot_general3A_216 = tpu.matmul %add3A_10, %get3A_214, %dot_general3A_215 {dimension_numbers = #tpu.dot_dimension_numbers<[1], [1], [0], [0], [0, 0, 1, 0], [], []>, transpose_lhs_hint = false} : vector<512x256xf32>, vector<128x256xf32>, vector<512x128xf32> -> vector<512x128xf32>
    %swap3A_217 = arith.constant 18 : index
    %swap3A_218 = arith.constant 0 : index
    %swap3A_219 = arith.constant 0 : index
    %swap3A_220 = vector.load %arg4[%swap3A_217, %swap3A_218, %swap3A_219] : memref<32x512x128xf32, #tpu.memory_space<vmem>>, vector<1x512x128xf32>
    %swap3A_221 = vector.shape_cast %swap3A_220 : vector<1x512x128xf32> to vector<512x128xf32>
    %swap3A_222 = vector.shape_cast %dot_general3A_216 : vector<512x128xf32> to vector<1x512x128xf32>
    tpu.vector_store %arg4[%swap3A_217, %swap3A_218, %swap3A_219], %swap3A_222 {strides = array<i32>} : memref<32x512x128xf32, #tpu.memory_space<vmem>>, vector<1x512x128xf32>,
    %get3A_223 = arith.constant 2432 : index
    %get3A_224 = arith.constant 0 : index
    %get3A_225 = vector.load %arg3[%get3A_223, %get3A_224] : memref<4096x256xf32, #tpu.memory_space<vmem>>, vector<128x256xf32>
    %dot_general3A_226 = arith.constant dense<0.000000e+00> : vector<512x128xf32>
    %dot_general3A_227 = tpu.matmul %add3A_10, %get3A_225, %dot_general3A_226 {dimension_numbers = #tpu.dot_dimension_numbers<[1], [1], [0], [0], [0, 0, 1, 0], [], []>, transpose_lhs_hint = false} : vector<512x256xf32>, vector<128x256xf32>, vector<512x128xf32> -> vector<512x128xf32>
    %swap3A_228 = arith.constant 19 : index
    %swap3A_229 = arith.constant 0 : index
    %swap3A_230 = arith.constant 0 : index
    %swap3A_231 = vector.load %arg4[%swap3A_228, %swap3A_229, %swap3A_230] : memref<32x512x128xf32, #tpu.memory_space<vmem>>, vector<1x512x128xf32>
    %swap3A_232 = vector.shape_cast %swap3A_231 : vector<1x512x128xf32> to vector<512x128xf32>
    %swap3A_233 = vector.shape_cast %dot_general3A_227 : vector<512x128xf32> to vector<1x512x128xf32>
    tpu.vector_store %arg4[%swap3A_228, %swap3A_229, %swap3A_230], %swap3A_233 {strides = array<i32>} : memref<32x512x128xf32, #tpu.memory_space<vmem>>, vector<1x512x128xf32>,
    %get3A_234 = arith.constant 2560 : index
    %get3A_235 = arith.constant 0 : index
    %get3A_236 = vector.load %arg3[%get3A_234, %get3A_235] : memref<4096x256xf32, #tpu.memory_space<vmem>>, vector<128x256xf32>
    %dot_general3A_237 = arith.constant dense<0.000000e+00> : vector<512x128xf32>
    %dot_general3A_238 = tpu.matmul %add3A_10, %get3A_236, %dot_general3A_237 {dimension_numbers = #tpu.dot_dimension_numbers<[1], [1], [0], [0], [0, 0, 1, 0], [], []>, transpose_lhs_hint = false} : vector<512x256xf32>, vector<128x256xf32>, vector<512x128xf32> -> vector<512x128xf32>
    %swap3A_239 = arith.constant 20 : index
    %swap3A_240 = arith.constant 0 : index
    %swap3A_241 = arith.constant 0 : index
    %swap3A_242 = vector.load %arg4[%swap3A_239, %swap3A_240, %swap3A_241] : memref<32x512x128xf32, #tpu.memory_space<vmem>>, vector<1x512x128xf32>
    %swap3A_243 = vector.shape_cast %swap3A_242 : vector<1x512x128xf32> to vector<512x128xf32>
    %swap3A_244 = vector.shape_cast %dot_general3A_238 : vector<512x128xf32> to vector<1x512x128xf32>
    tpu.vector_store %arg4[%swap3A_239, %swap3A_240, %swap3A_241], %swap3A_244 {strides = array<i32>} : memref<32x512x128xf32, #tpu.memory_space<vmem>>, vector<1x512x128xf32>,
    %get3A_245 = arith.constant 2688 : index
    %get3A_246 = arith.constant 0 : index
    %get3A_247 = vector.load %arg3[%get3A_245, %get3A_246] : memref<4096x256xf32, #tpu.memory_space<vmem>>, vector<128x256xf32>
    %dot_general3A_248 = arith.constant dense<0.000000e+00> : vector<512x128xf32>
    %dot_general3A_249 = tpu.matmul %add3A_10, %get3A_247, %dot_general3A_248 {dimension_numbers = #tpu.dot_dimension_numbers<[1], [1], [0], [0], [0, 0, 1, 0], [], []>, transpose_lhs_hint = false} : vector<512x256xf32>, vector<128x256xf32>, vector<512x128xf32> -> vector<512x128xf32>
    %swap3A_250 = arith.constant 21 : index
    %swap3A_251 = arith.constant 0 : index
    %swap3A_252 = arith.constant 0 : index
    %swap3A_253 = vector.load %arg4[%swap3A_250, %swap3A_251, %swap3A_252] : memref<32x512x128xf32, #tpu.memory_space<vmem>>, vector<1x512x128xf32>
    %swap3A_254 = vector.shape_cast %swap3A_253 : vector<1x512x128xf32> to vector<512x128xf32>
    %swap3A_255 = vector.shape_cast %dot_general3A_249 : vector<512x128xf32> to vector<1x512x128xf32>
    tpu.vector_store %arg4[%swap3A_250, %swap3A_251, %swap3A_252], %swap3A_255 {strides = array<i32>} : memref<32x512x128xf32, #tpu.memory_space<vmem>>, vector<1x512x128xf32>,
    %get3A_256 = arith.constant 2816 : index
    %get3A_257 = arith.constant 0 : index
    %get3A_258 = vector.load %arg3[%get3A_256, %get3A_257] : memref<4096x256xf32, #tpu.memory_space<vmem>>, vector<128x256xf32>
    %dot_general3A_259 = arith.constant dense<0.000000e+00> : vector<512x128xf32>
    %dot_general3A_260 = tpu.matmul %add3A_10, %get3A_258, %dot_general3A_259 {dimension_numbers = #tpu.dot_dimension_numbers<[1], [1], [0], [0], [0, 0, 1, 0], [], []>, transpose_lhs_hint = false} : vector<512x256xf32>, vector<128x256xf32>, vector<512x128xf32> -> vector<512x128xf32>
    %swap3A_261 = arith.constant 22 : index
    %swap3A_262 = arith.constant 0 : index
    %swap3A_263 = arith.constant 0 : index
    %swap3A_264 = vector.load %arg4[%swap3A_261, %swap3A_262, %swap3A_263] : memref<32x512x128xf32, #tpu.memory_space<vmem>>, vector<1x512x128xf32>
    %swap3A_265 = vector.shape_cast %swap3A_264 : vector<1x512x128xf32> to vector<512x128xf32>
    %swap3A_266 = vector.shape_cast %dot_general3A_260 : vector<512x128xf32> to vector<1x512x128xf32>
    tpu.vector_store %arg4[%swap3A_261, %swap3A_262, %swap3A_263], %swap3A_266 {strides = array<i32>} : memref<32x512x128xf32, #tpu.memory_space<vmem>>, vector<1x512x128xf32>,
    %get3A_267 = arith.constant 2944 : index
    %get3A_268 = arith.constant 0 : index
    %get3A_269 = vector.load %arg3[%get3A_267, %get3A_268] : memref<4096x256xf32, #tpu.memory_space<vmem>>, vector<128x256xf32>
    %dot_general3A_270 = arith.constant dense<0.000000e+00> : vector<512x128xf32>
    %dot_general3A_271 = tpu.matmul %add3A_10, %get3A_269, %dot_general3A_270 {dimension_numbers = #tpu.dot_dimension_numbers<[1], [1], [0], [0], [0, 0, 1, 0], [], []>, transpose_lhs_hint = false} : vector<512x256xf32>, vector<128x256xf32>, vector<512x128xf32> -> vector<512x128xf32>
    %swap3A_272 = arith.constant 23 : index
    %swap3A_273 = arith.constant 0 : index
    %swap3A_274 = arith.constant 0 : index
    %swap3A_275 = vector.load %arg4[%swap3A_272, %swap3A_273, %swap3A_274] : memref<32x512x128xf32, #tpu.memory_space<vmem>>, vector<1x512x128xf32>
    %swap3A_276 = vector.shape_cast %swap3A_275 : vector<1x512x128xf32> to vector<512x128xf32>
    %swap3A_277 = vector.shape_cast %dot_general3A_271 : vector<512x128xf32> to vector<1x512x128xf32>
    tpu.vector_store %arg4[%swap3A_272, %swap3A_273, %swap3A_274], %swap3A_277 {strides = array<i32>} : memref<32x512x128xf32, #tpu.memory_space<vmem>>, vector<1x512x128xf32>,
    %get3A_278 = arith.constant 3072 : index
    %get3A_279 = arith.constant 0 : index
    %get3A_280 = vector.load %arg3[%get3A_278, %get3A_279] : memref<4096x256xf32, #tpu.memory_space<vmem>>, vector<128x256xf32>
    %dot_general3A_281 = arith.constant dense<0.000000e+00> : vector<512x128xf32>
    %dot_general3A_282 = tpu.matmul %add3A_10, %get3A_280, %dot_general3A_281 {dimension_numbers = #tpu.dot_dimension_numbers<[1], [1], [0], [0], [0, 0, 1, 0], [], []>, transpose_lhs_hint = false} : vector<512x256xf32>, vector<128x256xf32>, vector<512x128xf32> -> vector<512x128xf32>
    %swap3A_283 = arith.constant 24 : index
    %swap3A_284 = arith.constant 0 : index
    %swap3A_285 = arith.constant 0 : index
    %swap3A_286 = vector.load %arg4[%swap3A_283, %swap3A_284, %swap3A_285] : memref<32x512x128xf32, #tpu.memory_space<vmem>>, vector<1x512x128xf32>
    %swap3A_287 = vector.shape_cast %swap3A_286 : vector<1x512x128xf32> to vector<512x128xf32>
    %swap3A_288 = vector.shape_cast %dot_general3A_282 : vector<512x128xf32> to vector<1x512x128xf32>
    tpu.vector_store %arg4[%swap3A_283, %swap3A_284, %swap3A_285], %swap3A_288 {strides = array<i32>} : memref<32x512x128xf32, #tpu.memory_space<vmem>>, vector<1x512x128xf32>,
    %get3A_289 = arith.constant 3200 : index
    %get3A_290 = arith.constant 0 : index
    %get3A_291 = vector.load %arg3[%get3A_289, %get3A_290] : memref<4096x256xf32, #tpu.memory_space<vmem>>, vector<128x256xf32>
    %dot_general3A_292 = arith.constant dense<0.000000e+00> : vector<512x128xf32>
    %dot_general3A_293 = tpu.matmul %add3A_10, %get3A_291, %dot_general3A_292 {dimension_numbers = #tpu.dot_dimension_numbers<[1], [1], [0], [0], [0, 0, 1, 0], [], []>, transpose_lhs_hint = false} : vector<512x256xf32>, vector<128x256xf32>, vector<512x128xf32> -> vector<512x128xf32>
    %swap3A_294 = arith.constant 25 : index
    %swap3A_295 = arith.constant 0 : index
    %swap3A_296 = arith.constant 0 : index
    %swap3A_297 = vector.load %arg4[%swap3A_294, %swap3A_295, %swap3A_296] : memref<32x512x128xf32, #tpu.memory_space<vmem>>, vector<1x512x128xf32>
    %swap3A_298 = vector.shape_cast %swap3A_297 : vector<1x512x128xf32> to vector<512x128xf32>
    %swap3A_299 = vector.shape_cast %dot_general3A_293 : vector<512x128xf32> to vector<1x512x128xf32>
    tpu.vector_store %arg4[%swap3A_294, %swap3A_295, %swap3A_296], %swap3A_299 {strides = array<i32>} : memref<32x512x128xf32, #tpu.memory_space<vmem>>, vector<1x512x128xf32>,
    %get3A_300 = arith.constant 3328 : index
    %get3A_301 = arith.constant 0 : index
    %get3A_302 = vector.load %arg3[%get3A_300, %get3A_301] : memref<4096x256xf32, #tpu.memory_space<vmem>>, vector<128x256xf32>
    %dot_general3A_303 = arith.constant dense<0.000000e+00> : vector<512x128xf32>
    %dot_general3A_304 = tpu.matmul %add3A_10, %get3A_302, %dot_general3A_303 {dimension_numbers = #tpu.dot_dimension_numbers<[1], [1], [0], [0], [0, 0, 1, 0], [], []>, transpose_lhs_hint = false} : vector<512x256xf32>, vector<128x256xf32>, vector<512x128xf32> -> vector<512x128xf32>
    %swap3A_305 = arith.constant 26 : index
    %swap3A_306 = arith.constant 0 : index
    %swap3A_307 = arith.constant 0 : index
    %swap3A_308 = vector.load %arg4[%swap3A_305, %swap3A_306, %swap3A_307] : memref<32x512x128xf32, #tpu.memory_space<vmem>>, vector<1x512x128xf32>
    %swap3A_309 = vector.shape_cast %swap3A_308 : vector<1x512x128xf32> to vector<512x128xf32>
    %swap3A_310 = vector.shape_cast %dot_general3A_304 : vector<512x128xf32> to vector<1x512x128xf32>
    tpu.vector_store %arg4[%swap3A_305, %swap3A_306, %swap3A_307], %swap3A_310 {strides = array<i32>} : memref<32x512x128xf32, #tpu.memory_space<vmem>>, vector<1x512x128xf32>,
    %get3A_311 = arith.constant 3456 : index
    %get3A_312 = arith.constant 0 : index
    %get3A_313 = vector.load %arg3[%get3A_311, %get3A_312] : memref<4096x256xf32, #tpu.memory_space<vmem>>, vector<128x256xf32>
    %dot_general3A_314 = arith.constant dense<0.000000e+00> : vector<512x128xf32>
    %dot_general3A_315 = tpu.matmul %add3A_10, %get3A_313, %dot_general3A_314 {dimension_numbers = #tpu.dot_dimension_numbers<[1], [1], [0], [0], [0, 0, 1, 0], [], []>, transpose_lhs_hint = false} : vector<512x256xf32>, vector<128x256xf32>, vector<512x128xf32> -> vector<512x128xf32>
    %swap3A_316 = arith.constant 27 : index
    %swap3A_317 = arith.constant 0 : index
    %swap3A_318 = arith.constant 0 : index
    %swap3A_319 = vector.load %arg4[%swap3A_316, %swap3A_317, %swap3A_318] : memref<32x512x128xf32, #tpu.memory_space<vmem>>, vector<1x512x128xf32>
    %swap3A_320 = vector.shape_cast %swap3A_319 : vector<1x512x128xf32> to vector<512x128xf32>
    %swap3A_321 = vector.shape_cast %dot_general3A_315 : vector<512x128xf32> to vector<1x512x128xf32>
    tpu.vector_store %arg4[%swap3A_316, %swap3A_317, %swap3A_318], %swap3A_321 {strides = array<i32>} : memref<32x512x128xf32, #tpu.memory_space<vmem>>, vector<1x512x128xf32>,
    %get3A_322 = arith.constant 3584 : index
    %get3A_323 = arith.constant 0 : index
    %get3A_324 = vector.load %arg3[%get3A_322, %get3A_323] : memref<4096x256xf32, #tpu.memory_space<vmem>>, vector<128x256xf32>
    %dot_general3A_325 = arith.constant dense<0.000000e+00> : vector<512x128xf32>
    %dot_general3A_326 = tpu.matmul %add3A_10, %get3A_324, %dot_general3A_325 {dimension_numbers = #tpu.dot_dimension_numbers<[1], [1], [0], [0], [0, 0, 1, 0], [], []>, transpose_lhs_hint = false} : vector<512x256xf32>, vector<128x256xf32>, vector<512x128xf32> -> vector<512x128xf32>
    %swap3A_327 = arith.constant 28 : index
    %swap3A_328 = arith.constant 0 : index
    %swap3A_329 = arith.constant 0 : index
    %swap3A_330 = vector.load %arg4[%swap3A_327, %swap3A_328, %swap3A_329] : memref<32x512x128xf32, #tpu.memory_space<vmem>>, vector<1x512x128xf32>
    %swap3A_331 = vector.shape_cast %swap3A_330 : vector<1x512x128xf32> to vector<512x128xf32>
    %swap3A_332 = vector.shape_cast %dot_general3A_326 : vector<512x128xf32> to vector<1x512x128xf32>
    tpu.vector_store %arg4[%swap3A_327, %swap3A_328, %swap3A_329], %swap3A_332 {strides = array<i32>} : memref<32x512x128xf32, #tpu.memory_space<vmem>>, vector<1x512x128xf32>,
    %get3A_333 = arith.constant 3712 : index
    %get3A_334 = arith.constant 0 : index
    %get3A_335 = vector.load %arg3[%get3A_333, %get3A_334] : memref<4096x256xf32, #tpu.memory_space<vmem>>, vector<128x256xf32>
    %dot_general3A_336 = arith.constant dense<0.000000e+00> : vector<512x128xf32>
    %dot_general3A_337 = tpu.matmul %add3A_10, %get3A_335, %dot_general3A_336 {dimension_numbers = #tpu.dot_dimension_numbers<[1], [1], [0], [0], [0, 0, 1, 0], [], []>, transpose_lhs_hint = false} : vector<512x256xf32>, vector<128x256xf32>, vector<512x128xf32> -> vector<512x128xf32>
    %swap3A_338 = arith.constant 29 : index
    %swap3A_339 = arith.constant 0 : index
    %swap3A_340 = arith.constant 0 : index
    %swap3A_341 = vector.load %arg4[%swap3A_338, %swap3A_339, %swap3A_340] : memref<32x512x128xf32, #tpu.memory_space<vmem>>, vector<1x512x128xf32>
    %swap3A_342 = vector.shape_cast %swap3A_341 : vector<1x512x128xf32> to vector<512x128xf32>
    %swap3A_343 = vector.shape_cast %dot_general3A_337 : vector<512x128xf32> to vector<1x512x128xf32>
    tpu.vector_store %arg4[%swap3A_338, %swap3A_339, %swap3A_340], %swap3A_343 {strides = array<i32>} : memref<32x512x128xf32, #tpu.memory_space<vmem>>, vector<1x512x128xf32>,
    %get3A_344 = arith.constant 3840 : index
    %get3A_345 = arith.constant 0 : index
    %get3A_346 = vector.load %arg3[%get3A_344, %get3A_345] : memref<4096x256xf32, #tpu.memory_space<vmem>>, vector<128x256xf32>
    %dot_general3A_347 = arith.constant dense<0.000000e+00> : vector<512x128xf32>
    %dot_general3A_348 = tpu.matmul %add3A_10, %get3A_346, %dot_general3A_347 {dimension_numbers = #tpu.dot_dimension_numbers<[1], [1], [0], [0], [0, 0, 1, 0], [], []>, transpose_lhs_hint = false} : vector<512x256xf32>, vector<128x256xf32>, vector<512x128xf32> -> vector<512x128xf32>
    %swap3A_349 = arith.constant 30 : index
    %swap3A_350 = arith.constant 0 : index
    %swap3A_351 = arith.constant 0 : index
    %swap3A_352 = vector.load %arg4[%swap3A_349, %swap3A_350, %swap3A_351] : memref<32x512x128xf32, #tpu.memory_space<vmem>>, vector<1x512x128xf32>
    %swap3A_353 = vector.shape_cast %swap3A_352 : vector<1x512x128xf32> to vector<512x128xf32>
    %swap3A_354 = vector.shape_cast %dot_general3A_348 : vector<512x128xf32> to vector<1x512x128xf32>
    tpu.vector_store %arg4[%swap3A_349, %swap3A_350, %swap3A_351], %swap3A_354 {strides = array<i32>} : memref<32x512x128xf32, #tpu.memory_space<vmem>>, vector<1x512x128xf32>,
    %get3A_355 = arith.constant 3968 : index
    %get3A_356 = arith.constant 0 : index
    %get3A_357 = vector.load %arg3[%get3A_355, %get3A_356] : memref<4096x256xf32, #tpu.memory_space<vmem>>, vector<128x256xf32>
    %dot_general3A_358 = arith.constant dense<0.000000e+00> : vector<512x128xf32>
    %dot_general3A_359 = tpu.matmul %add3A_10, %get3A_357, %dot_general3A_358 {dimension_numbers = #tpu.dot_dimension_numbers<[1], [1], [0], [0], [0, 0, 1, 0], [], []>, transpose_lhs_hint = false} : vector<512x256xf32>, vector<128x256xf32>, vector<512x128xf32> -> vector<512x128xf32>
    %swap3A_360 = arith.constant 31 : index
    %swap3A_361 = arith.constant 0 : index
    %swap3A_362 = arith.constant 0 : index
    %swap3A_363 = vector.load %arg4[%swap3A_360, %swap3A_361, %swap3A_362] : memref<32x512x128xf32, #tpu.memory_space<vmem>>, vector<1x512x128xf32>
    %swap3A_364 = vector.shape_cast %swap3A_363 : vector<1x512x128xf32> to vector<512x128xf32>
    %swap3A_365 = vector.shape_cast %dot_general3A_359 : vector<512x128xf32> to vector<1x512x128xf32>
    tpu.vector_store %arg4[%swap3A_360, %swap3A_361, %swap3A_362], %swap3A_365 {strides = array<i32>} : memref<32x512x128xf32, #tpu.memory_space<vmem>>, vector<1x512x128xf32>,
    return
  }
}

</mosaic_0001>

<sc_bundles>
// kernel: kernel.5.cloned.1.call-start
scs
__scs_entry_jumppad:
0x0: {  	(pc) =	sbr.rel $0x88, $3  }
0x1: {  	(tag) =	ssettag $0x0;
	lr =	simm.s32 $0x1  }
0x2: {  	[smem:$0x3F9E] =	sst lr;
	_ =	strace $0xD0000000  }
0x3: {  	_ = 	snop  }
0x4: {  	_ = 	snop  }
0x5: {  	_ = 	snop  }
0x6: {  	_ = 	snop  }
0x7: {  	_ = 	snop  }
__scs_overlays_trampoline_lowered:
0x8: {  	[smem:$0x3FAD] =	sst s0  }
0x9: {  	[smem:$0x3FAE] =	sst s1  }
0xa: {  	[smem:$0x3FAF] =	sst s2  }
0xb: {  	[smem:$0x3FB0] =	sst s3  }
0xc: {  	[smem:$0x3FB1] =	sst s4  }
0xd: {  	[smem:$0x3FB2] =	sst s5  }
0xe: {  	[smem:$0x3FB3] =	sst s6  }
0xf: {  	[smem:$0x3FB4] =	sst s7  }
0x10: {  	[smem:$0x3FB5] =	sst s8  }
0x11: {  	[smem:$0x3FB6] =	sst s9;
	s0 =	simm.s32 @!p0 $0x0  }
0x12: {  	s1 =	sld [smem:$0x3F9C];
	s0 =	simm.s32 @p0 $0x1  }
0x13: {  	[smem:$0x3FB7] =	sst s0;
	s0 =	simm.s32 @!p1 $0x0  }
0x14: {  	s2 =	sld [smem:$0x3F9B];
	s0 =	simm.s32 @p1 $0x1  }
0x15: {  	[smem:$0x3FB8] =	sst s0;
	s0 =	simm.s32 @!p2 $0x0  }
0x16: {  	s3 =	sld [smem:$0x3FDB];
	s0 =	simm.s32 @p2 $0x1  }
0x17: {  	s4 =	simm.s32 $0x1BF5;
	[smem:$0x3FBA] =	sst s0  }
0x18: {  	s0 =	sld [smem:$0x3F9D];
	_ =	swait.ge [sflag:s4], $0x0  }
0x19: {  	s7 =	sld [smem:$0x3F9E]  }
0x1a: {  	s8 =	sadd.s32 $0xFFFFE003, lr  }
0x1b: {  	s9 =	sadd.s32 $0xFFFFFEF7, lr;
	s5 =	simm.s32 $0xFFFFFFFF;
	p2 =	slt.u32 s8, $0xFFFFF086  }
0x1c: {  	p1 =	slt.u32 s9, $0xF7A;
	s5 =	simm.s32 @!p2 $0x0  }
0x1d: {  	s5 =	simm.s32 @p1 $0x1;
	p0 =	seq.s32 s7, s2  }
0x1e: {  	s7 =	smul.u32 @!p0 $0xF7A, s2;
	p2 =	seq.s32 @!p0 s5, $0x0  }
0x1f: {  	s9 =	smul.u32 $0xF7A, s1;
	s8 =	simm.s32 @!p0 $0x1BF5;
	p2 =	por !p2, p0  }
0x20: {  	[sflag:s8] =	ssyncset.s32 @!p0 $0xFFFFF086;
	s6 =	sadd.s32 @!p0 s3, s7;
	s7 =	simm.s32 @!p0 $0x108  }
0x21: {  	s3 =	sadd.s32 s3, s9;
	s6 =	sadd.s32 @!p0 $0x88, s6;
	s7 =	simm.s32 @p2 $0x1082  }
0x22: {  	[simem:s7], [sflag:s8] =	dma.local @!p0 [hbm:s6], $0xF7A  }
0x23: {  	s9 =	sor.u32 $0xD0000000, s2;
	s6 =	simm.s32 $0x108;
	_ =	swait.ge @!p0 [sflag:s8], $0x0  }
0x24: {  	s3 =	sadd.s32 $0x88, s3;
	s6 =	simm.s32 @!p1 $0x1082;
	[sflag:s4] =	ssyncset.s32 $0xFFFFF086  }
0x25: {  	[simem:s6], [sflag:s4] =	dma.local [hbm:s3], $0xF7A  }
0x26: {  	[smem:$0x3F9E] =	sst s1;
	(tag) =	ssettag s2;
	_ =	strace s9  }
0x27: {  	s1 =	sld [smem:$0x3FAE]  }
0x28: {  	s2 =	sld [smem:$0x3FAF]  }
0x29: {  	s4 =	sld [smem:$0x3FB1]  }
0x2a: {  	p0 =	seq.s32 s5, $0x0;
	s5 =	sld [smem:$0x3FB2]  }
0x2b: {  	s6 =	sld [smem:$0x3FB3]  }
0x2c: {  	s7 =	sld [smem:$0x3FB4]  }
0x2d: {  	s3 =	simm.s32 $0x108;
	s8 =	sld [smem:$0x3FB5]  }
0x2e: {  	s3 =	simm.s32 @!p0 $0x1082;
	s9 =	sld [smem:$0x3FB6]  }
0x2f: {  	lr =	sadd.s32 s0, s3;
	s0 =	sld [smem:$0x3FAD]  }
0x30: {  	s3 =	sld [smem:$0x3FB0]  }
0x31: {  	[smem:$0x3FB9] =	sst s10  }
0x32: {  	s10 =	sld [smem:$0x3FB7];
	_ =	sdelay $0x3  }
0x33: {  	p0 =	seq.s32 s10, $0x1;
	s10 =	sld [smem:$0x3FB9];
	_ =	sdelay $0x3  }
0x34: {  	[smem:$0x3FB9] =	sst s10  }
0x35: {  	s10 =	sld [smem:$0x3FB8];
	_ =	sdelay $0x3  }
0x36: {  	p1 =	seq.s32 s10, $0x1;
	s10 =	sld [smem:$0x3FB9];
	_ =	sdelay $0x3  }
0x37: {  	[smem:$0x3FB9] =	sst s10  }
0x38: {  	s10 =	sld [smem:$0x3FBA]  }
0x39: {  	_ = 	snop;
	(pc) =	sbr.ind lr, $3  }
0x3a: {  	_ = 	snop  }
0x3b: {  	_ = 	snop  }
0x3c: {  	p2 =	seq.s32 s10, $0x1;
	s10 =	sld [smem:$0x3FB9]  }
0x3d: {  	_ =	shalt  }
0x3e: {  	_ =	shalt  }
0x3f: {  	_ =	shalt  }
0x40: {  	_ =	shalt  }
0x41: {  	_ =	shalt  }
0x42: {  	_ =	shalt  }
0x43: {  	_ =	shalt  }
0x44: {  	_ =	shalt  }
0x45: {  	_ =	shalt  }
0x46: {  	_ =	shalt  }
0x47: {  	_ =	shalt  }
0x48: {  	_ =	shalt  }
0x49: {  	_ =	shalt  }
0x4a: {  	_ =	shalt  }
0x4b: {  	_ =	shalt  }
0x4c: {  	_ =	shalt  }
0x4d: {  	_ =	shalt  }
0x4e: {  	_ =	shalt  }
0x4f: {  	_ =	shalt  }
0x50: {  	_ =	shalt  }
0x51: {  	_ =	shalt  }
0x52: {  	_ =	shalt  }
0x53: {  	_ =	shalt  }
0x54: {  	_ =	shalt  }
0x55: {  	_ =	shalt  }
0x56: {  	_ =	shalt  }
0x57: {  	_ =	shalt  }
0x58: {  	_ =	shalt  }
0x59: {  	_ =	shalt  }
0x5a: {  	_ =	shalt  }
0x5b: {  	_ =	shalt  }
0x5c: {  	_ =	shalt  }
0x5d: {  	_ =	shalt  }
0x5e: {  	_ =	shalt  }
0x5f: {  	_ =	shalt  }
0x60: {  	_ =	shalt  }
0x61: {  	_ =	shalt  }
0x62: {  	_ =	shalt  }
0x63: {  	_ =	shalt  }
0x64: {  	_ =	shalt  }
0x65: {  	_ =	shalt  }
0x66: {  	_ =	shalt  }
0x67: {  	_ =	shalt  }
0x68: {  	_ =	shalt  }
0x69: {  	_ =	shalt  }
0x6a: {  	_ =	shalt  }
0x6b: {  	_ =	shalt  }
0x6c: {  	_ =	shalt  }
0x6d: {  	_ =	shalt  }
0x6e: {  	_ =	shalt  }
0x6f: {  	_ =	shalt  }
0x70: {  	_ =	shalt  }
0x71: {  	_ =	shalt  }
0x72: {  	_ =	shalt  }
0x73: {  	_ =	shalt  }
0x74: {  	_ =	shalt  }
0x75: {  	_ =	shalt  }
0x76: {  	_ =	shalt  }
0x77: {  	_ =	shalt  }
0x78: {  	_ =	shalt  }
0x79: {  	_ =	shalt  }
0x7a: {  	_ =	shalt  }
0x7b: {  	_ =	shalt  }
0x7c: {  	_ =	shalt  }
0x7d: {  	_ =	shalt  }
0x7e: {  	_ =	shalt  }
0x7f: {  	_ =	shalt  }
0x80: {  	_ =	shalt  }
0x81: {  	_ =	shalt  }
0x82: {  	_ =	shalt  }
0x83: {  	_ =	shalt  }
0x84: {  	_ =	shalt  }
0x85: {  	_ =	shalt  }
0x86: {  	_ =	shalt  }
0x87: {  	_ =	shalt  }
.Lfunc_end0:
.L_simem_size_0:
called_computation_lowered:
.L_overlay_start_0:
0x88: {  	s2 =	sld [smem:$0x3FD9]  }
0x89: {  	s3 =	sld [smem:$0x3FFE];
	_ =	sdelay $0x1  }
0x8a: {  	s1 =	srdreg.scid  }
0x8b: {  	s0 =	sand.u32 $0x1, s1  }
0x8c: {  	s16 =	sshll.u32 s0, $0xA;
	s2 =	sadd.s32 s3, s2  }
0x8d: {  	s2 =	sadd.s32 s2, s16  }
0x8e: {  	[smem:$0x3FC5] =	sst s2  }
0x8f: {  	_ = 	snop  }
0x90: {  	(tm) =	ssettm $0x1  }
0x91: {  	s17 =	sld [smem:$0x3FFB];
	_ =	sdelay $0x3  }
0x92: {  	_ =	strace s17  }
0x93: {  	s2 =	sld [smem:$0x3FFC];
	_ =	sdelay $0x3  }
0x94: {  	_ =	strace s2  }
0x95: {  	s2 =	sld [smem:$0x3FFD];
	_ =	sdelay $0x3  }
0x96: {  	_ =	strace s2  }
0x97: {  	_ =	strace $0x8FFFFFFF  }
0x98: {  	s18 =	sld [smem:$0x3FDB];
	_ =	sdelay $0x1  }
0x99: {  	s19 =	simm.s32 $_scs_section_size  }
0x9a: {  	s4 =	simm.s32 $_size__tile_overlayer_lowered;
	s5 =	simm.s32 $_tile_overlayer_lowered  }
0x9b: {  	s22 =	simm.s32 $0x1BFF;
	s21 =	sshll.u32 s5, $0x1;
	s2 =	sadd.s32 s19, s18  }
0x9c: {  	s6 =	simm.s32 $0x0;
	s20 =	sshll.u32 s4, $0x1;
	s4 =	sadd.s32 s21, s2  }
0x9d: {  	[timem:s6], [sflag:s22] =	dma.local [hbm:s4], s20  }
0x9e: {  	_ =	swait.ge [sflag:s22], s20  }
0x9f: {  	s3 =	ssub.s32 $0x0, s20;
	[sflag:s22] =	ssyncset.done $0x0  }
0xa0: {  	[sflag:s22] =	ssyncadd.s32 s3;
	_ =	sdelay $0x1  }
0xa1: {  	s23 =	simm.s32 $0x1B8B  }
0xa2: {  	_ =	swait.ge [sflag:s23], $0x1  }
0xa3: {  	[sflag:s23] =	ssyncset.done $0x0  }
0xa4: {  	s25 =	simm.s32 $0x1B8E;
	s24 =	sld [smem:$0x3FFE];
	[sflag:s23] =	ssyncadd.s32 $0xFFFFFFFF  }
0xa5: {  	s26 =	simm.s32 $execute0_lowered;
	[smem:$0x3FD2] =	sst s25  }
0xa6: {  	s4 =	sshll.u32 s26, $0x1;
	_ =	strace $0x80000046;
	[dreg:$0x1] =	wrdreg $0xFFFFFFFF  }
0xa7: {  	s28 =	simm.s32 $_size_execute0_lowered;
	s2 =	sadd.s32 s2, s4;
	[dreg:$0x0] =	wrdreg $0x0  }
0xa8: {  	s4 =	sshll.u32 s28, $0x1;
	[dreg:$0x2] =	wrdreg s2  }
0xa9: {  	[dreg:$0x3] =	wrdreg s4  }
0xaa: {  	[dreg:$0x4] =	wrdreg $0xC0  }
0xab: {  	_ =	task [dreg:s6], $0x5FFFF  }
0xac: {  	[dreg:$0x1] =	wrdreg $0xFFFFFFFF  }
0xad: {  	[dreg:$0x0] =	wrdreg $0x60  }
0xae: {  	[dreg:$0x2] =	wrdreg s24  }
0xaf: {  	[dreg:$0x3] =	wrdreg $0x9  }
0xb0: {  	_ =	task.clear_ibuf [dreg:s6], $0x4FFFF;
	_ =	strace $0x90000046  }
0xb1: {  	s29 =	simm.s32 $0x9;
	_ =	strace $0x80000048  }
0xb2: {  	_ =	swait.ge [sflag:s29], $0x1  }
0xb3: {  	[sflag:s29] =	ssyncadd.s32 $0xFFFFFFFF  }
0xb4: {  	_ =	strace $0x90000048  }
0xb5: {  	_ =	sfence  }
0xb6: {  	s30 =	sld [smem:$0x0];
	_ =	sdelay $0x2  }
0xb7: {  	s31 =	sshll.u32 s1, $0xD;
	s1 =	sshrl.u32 s1, $0x2  }
0xb8: {  	s3 =	sand.u32 $0x4000, s31;
	s1 =	sadd.s32 s1, s30  }
0xb9: {  	s0 =	sor.u32 s3, s0;
	s1 =	sshll.u32 s1, $0x11  }
0xba: {  	s0 =	sor.u32 s1, s0  }
0xbb: {  	s0 =	sadd.s32 $0x8F2B, s0  }
0xbc: {  	[sflag:s0] =	ssyncadd.remote.s32 $0x1  }
0xbd: {  	_ =	sfence.sel $0xFFFF  }
0xbe: {  	[dreg:$0x0] =	wrdreg $0xFFFFFFFF;
	(pc) =	sbr.abs _section_cstart, $3  }
0xbf: {  	[dreg:$0x1] =	wrdreg $0xFFFFFFFF  }
0xc0: {  	_ =	task.clear_ibuf [dreg:s6], $0x2FFFF;
	_ =	strace $0x9FFFFFFF  }
0xc1: {  	(tm) =	ssettm $0x7FFFFFFF  }
tec
execute0_lowered:
.L_overlay_start_1:
0x0: {  	(tag) =	ssettag $0x1  }
0x1: {  	s1 =	srdreg.scid;
	s0 =	stileid.u32  }
0x2: {  	s8 =	sand.u32 $0x1, s1;
	s30 =	sshll.u32 s0, $0x1  }
0x3: {  	s9 =	rddreg [dreg:$0x0];
	s10 =	sor.u32 s8, s30  }
0x4: {  	s2 =	simm.s32 $0x0;
	s1 =	rddreg [dreg:$0x1];
	s3 =	sshll.u32 s10, $0x9  }
0x5: {  	[smem:$0x7FF] =	sst s2;
	s3 =	sadd.s32 s3, s9  }
0x6: {  	_ =	strace $0x80000047;
	s4 =	sadd.s32 $0x41200, s3;
	s3 =	simm.s32 $0x2  }
0x7: {  	[tilespmem:s2], [sflag:$0x2] =	stream.linear.gather [hbm4b:s4+s2], $0x1000, $0x38;
	[tilespmem:$0x2000] =	vst v63  }
0x8: {  	_ =	swait.ge [sflag:s3], $0x1000  }
0x9: {  	s6 =	simm.s32 $0x1000;
	s7 =	simm.s32 $0x1;
	[sflag:s3] =	ssyncset.done $0x0  }
0xa: {  	s5 =	sadd.s32 $0x1200, s9;
	s31 =	ssub.s32 $0x2, s8;
	[sflag:s3] =	ssyncadd.s32 $0xFFFFF000  }
0xb: {  	[tilespmem:s6], [sflag:$0x1] =	stream.indirect.gather [hbm4b:s5+s6], $0x1, s2, s6, $0xb8;
	[tilespmem:$0x2000] =	vst v63  }
0xc: {  	s10 =	sshll.u32 s10, $0x8;
	s11 =	sshrl.u32 s31, $0x1;
	_ =	swait.ge [sflag:s7], $0x1000  }
0xd: {  	s9 =	sadd.s32 s10, s9;
	s10 =	ssub.s32 s31, s11;
	[sflag:s7] =	ssyncset.done $0x0  }
0xe: {  	s8 =	sadd.s32 $0x45200, s9;
	s11 =	smax.u32 s10, $0x1;
	[sflag:s7] =	ssyncadd.s32 $0xFFFFF000  }
0xf: {  	[hbm4b:s8+s2] =	stream.linear.scatter [tilespmem:s6], [sflag:$0x2], $0x800, $0x38;
	[tilespmem:$0x2000] =	vst v63  }
0x10: {  	p0 =	sne.s32 s11, $0x1;
	_ =	swait.ge [sflag:s3], $0x800  }
.Ltmp0:
0x11: {  	[sflag:s3] =	ssyncset.done $0x0;
	(pc) =	sbr.rel @!p0 .LBB2_2-.Ltmp0, $4  }
0x12: {  	s9 =	sadd.s32 $0x47200, s9;
	s10 =	simm.s32 $0x1800;
	[sflag:s3] =	ssyncadd.s32 $0xFFFFF800  }
0x13: {  	[hbm4b:s9+s2] =	stream.linear.scatter [tilespmem:s10], [sflag:$0x2], $0x800, $0x38;
	[tilespmem:$0x2000] =	vst v63  }
0x14: {  	_ =	swait.ge [sflag:s3], $0x800  }
0x15: {  	s11 =	sadd.s32 $0xFFFFFFFF, s11;
	[sflag:s3] =	ssyncset.done $0x0  }
.LBB2_1:
0x16: {  	p0 =	sne.s32 s11, $0x1;
	s11 =	sadd.s32 $0xFFFFFFFF, s11;
	[sflag:s3] =	ssyncadd.s32 $0xFFFFF800  }
0x17: {  	[tilespmem:s2], [sflag:$0x2] =	stream.linear.gather [hbm4b:s4+s2], $0x1000, $0x38;
	[tilespmem:$0x2000] =	vst v63  }
0x18: {  	_ =	swait.ge [sflag:s3], $0x1000  }
0x19: {  	[sflag:s3] =	ssyncset.done $0x0  }
0x1a: {  	[sflag:s3] =	ssyncadd.s32 $0xFFFFF000  }
0x1b: {  	[tilespmem:s6], [sflag:$0x1] =	stream.indirect.gather [hbm4b:s5+s6], $0x1, s2, s6, $0xb8;
	[tilespmem:$0x2000] =	vst v63  }
0x1c: {  	_ =	swait.ge [sflag:s7], $0x1000  }
0x1d: {  	[sflag:s7] =	ssyncset.done $0x0  }
0x1e: {  	[sflag:s7] =	ssyncadd.s32 $0xFFFFF000  }
0x1f: {  	[hbm4b:s8+s2] =	stream.linear.scatter [tilespmem:s6], [sflag:$0x2], $0x800, $0x38;
	[tilespmem:$0x2000] =	vst v63  }
0x20: {  	_ =	swait.ge [sflag:s3], $0x800  }
.Ltmp1:
0x21: {  	[sflag:s3] =	ssyncset.done $0x0;
	(pc) =	sbr.rel @p0 .LBB2_1-.Ltmp1, $4  }
0x22: {  	[sflag:s3] =	ssyncadd.s32 $0xFFFFF800  }
0x23: {  	[hbm4b:s9+s2] =	stream.linear.scatter [tilespmem:s10], [sflag:$0x2], $0x800, $0x38;
	[tilespmem:$0x2000] =	vst v63  }
0x24: {  	_ =	swait.ge [sflag:s3], $0x800  }
0x25: {  	[sflag:s3] =	ssyncset.done $0x0  }
.LBB2_2:
0x26: {  	[sflag:s3] =	ssyncadd.s32 $0xFFFFF800  }
0x27: {  	_ =	sfence.sel $0x180000  }
0x28: {  	[bflag:$0x0] =	sbarrier.arrive $0xFFFF  }
0x29: {  	p0 =	sne.s32 s0, $0x0;
	_ =	strace $0x90000047  }
0x2a: {  	s0 =	sadd.s32 @!p0 $0x100000, s1;
	[bflag:$0x2] =	sbarrier.arrive $0xFFFF  }
0x2b: {  	[sflag:s0] =	ssyncadd.tile.s32 @!p0 $0x1;
	_ =	shalt  }
.Lfunc_end2:
_tile_overlayer_lowered:
.L_overlay_start_2:
0x2c: {  	(tag) =	ssettag $0x2  }
0x2d: {  	s0 =	rddreg [dreg:$0x0];
	s2 =	stileid.u32  }
0x2e: {  	s1 =	rddreg [dreg:$0x1];
	p0 =	sne.s32 s2, $0x0  }
0x2f: {  	s3 =	rddreg [dreg:$0x2];
	[bflag:$0x3] =	sbarrier.arrive $0xFFFF;
	s2 =	simm.s32 @!p0 $0x1C02  }
0x30: {  	[timem:s3], [sflag:s2] =	dma.local @!p0 [hbm:s0], s1  }
0x31: {  	s0 =	simm.s32 @!p0 $0x2  }
0x32: {  	_ =	swait.ge @!p0 [sflag:s0], s1  }
0x33: {  	s1 =	ssub.s32 @!p0 $0x0, s1;
	[sflag:s0] =	ssyncset.done @!p0 $0x0  }
0x34: {  	[sflag:s0] =	ssyncadd.s32 @!p0 s1  }
0x35: {  	[bflag:$0x3] =	sbarrier.arrive $0xFFFF  }
0x36: {  	_ =	shalt  }

</sc_bundles>
